<compile_context>
chip_gen: v7x
topology: tpu7x:2x2x1
jax: 0.10.2.dev20260603
libtpu: 0.0.44.dev20260713+nightly
codegen_flags: <defaults>
</compile_context>

<pallas_src>
import jax
import jax.numpy as jnp
from jax import lax
from jax.experimental import pallas as pl
from jax.experimental.pallas import tpu as pltpu
from jax.experimental.pallas import tpu_sc as plsc

EMBED = 128
NSENT = 4096
SLEN = 50
B = NSENT * SLEN
NC, NS = 2, 16
NW = NC * NS
B_PER_W = B // NW
CHUNK = 200
N_CHUNKS = B_PER_W // CHUNK
NB = 4


def _emb_kernel(src_idx, dst_idx, src_table, dst_table,
                src_out, dst_out, idx_s, idx_d, rows, gsem, wsem):
    wid = lax.axis_index("s") * NC + lax.axis_index("c")
    base_w = wid * B_PER_W
    pltpu.sync_copy(src_idx.at[pl.ds(base_w, B_PER_W)], idx_s)
    pltpu.sync_copy(dst_idx.at[pl.ds(base_w, B_PER_W)], idx_d)

    for idx_v, table, out in ((idx_s, src_table, src_out),
                              (idx_d, dst_table, dst_out)):
        def g_start(c, b, table=table, idx_v=idx_v):
            pltpu.async_copy(
                table.at[idx_v.at[pl.ds(c * CHUNK, CHUNK)]],
                rows.at[b], gsem.at[b])

        def g_wait(b, table=table, idx_v=idx_v):
            pltpu.make_async_copy(
                table.at[idx_v.at[pl.ds(0, CHUNK)]],
                rows.at[b], gsem.at[b]).wait()

        def w_start(c, b, out=out):
            pltpu.async_copy(
                rows.at[b], out.at[pl.ds(base_w + c * CHUNK, CHUNK)],
                wsem.at[b])

        def w_wait(b, out=out):
            pltpu.make_async_copy(
                rows.at[b], out.at[pl.ds(base_w, CHUNK)],
                wsem.at[b]).wait()

        for b in range(NB):
            g_start(b, b)

        @pl.loop(NB, N_CHUNKS, step=NB)
        def _(g):
            for b in range(NB):
                g_wait(b)
                w_start(g - NB + b, b)
                w_wait(b)
                g_start(g + b, b)

        for b in range(NB):
            g_wait(b)
            w_start(N_CHUNKS - NB + b, b)
            w_wait(b)


@jax.jit
def kernel(src_tokens, dst_tokens, src_table, dst_table):
    src_flat = src_tokens.astype(jnp.int32).T.reshape(B)
    dst_flat = dst_tokens.astype(jnp.int32).T.reshape(B)

    mesh = plsc.VectorSubcoreMesh(core_axis_name="c", subcore_axis_name="s")
    run = pl.kernel(
        _emb_kernel,
        out_type=(
            jax.ShapeDtypeStruct((B, EMBED), jnp.float32),
            jax.ShapeDtypeStruct((B, EMBED), jnp.float32),
        ),
        mesh=mesh,
        scratch_types=[
            pltpu.VMEM((B_PER_W,), jnp.int32),
            pltpu.VMEM((B_PER_W,), jnp.int32),
            pltpu.VMEM((NB, CHUNK, EMBED), jnp.float32),
            pltpu.SemaphoreType.DMA((NB,)),
            pltpu.SemaphoreType.DMA((NB,)),
        ],
    )
    src_emb, dst_emb = run(src_flat, dst_flat, src_table, dst_table)
    src_emb = src_emb.reshape(SLEN, NSENT, EMBED).transpose(1, 0, 2)
    dst_emb = dst_emb.reshape(SLEN, NSENT, EMBED).transpose(1, 0, 2)
    return (src_emb, dst_emb)

# --- scband reference (transcript-rebuilt; emitter-appended) ---
"""Pipeline reference for scband-model-embeddings-45973329936756 (READ-ONLY COPY).

The authoritative reference and input builder live on the scoring server;
editing this copy changes nothing except your own understanding.
"""

import jax, jax.numpy as jnp
import numpy as np

SRC_VOCAB = 100000
DST_VOCAB = 100000
EMBED_SIZE = 128
PAD_IDX = 0

def setup_inputs(seed: int = 0) -> dict:
    key = jax.random.key(seed)
    k1, k2, k3, k4 = jax.random.split(key, 4)
    src_tokens = jax.random.randint(k1, (4096, 50), 0, SRC_VOCAB, dtype=jnp.int64 if jax.config.read('jax_enable_x64') else jnp.int32)
    dst_tokens = jax.random.randint(k2, (4096, 50), 0, DST_VOCAB, dtype=jnp.int64 if jax.config.read('jax_enable_x64') else jnp.int32)
    src_table = jax.random.normal(k3, (SRC_VOCAB, EMBED_SIZE), dtype=jnp.float32)
    dst_table = jax.random.normal(k4, (DST_VOCAB, EMBED_SIZE), dtype=jnp.float32)
    # padding_idx rows are zero, matching nn.Embedding(padding_idx=...)
    src_table = src_table.at[PAD_IDX].set(0.0)
    dst_table = dst_table.at[PAD_IDX].set(0.0)
    return {"src_tokens": src_tokens, "dst_tokens": dst_tokens, "src_table": src_table, "dst_table": dst_table}

def reference(src_tokens, dst_tokens, src_table, dst_table):
    # src_embedding(src_tokens), dst_embedding(dst_tokens): plain embedding gathers
    src_emb = jnp.take(src_table, src_tokens, axis=0)
    dst_emb = jnp.take(dst_table, dst_tokens, axis=0)
    return (src_emb, dst_emb)

if __name__ == "__main__":
    import jax
    _d = setup_inputs()
    print(jax.jit(kernel)(*tuple(_d.values())))

</pallas_src>

<mosaic_0001>
#map = affine_map<(d0, d1) -> (0)>
#map1 = affine_map<(d0, d1) -> (0, 0)>
module attributes {stable_mosaic.version = 14 : i64} {
  func.func @_emb_kernel(%arg0: i32, %arg1: i32, %arg2: memref<204800xi32, #tpu.memory_space<hbm>>, %arg3: memref<204800xi32, #tpu.memory_space<hbm>>, %arg4: memref<100000x128xf32, #tpu.memory_space<hbm>>, %arg5: memref<100000x128xf32, #tpu.memory_space<hbm>>, %arg6: memref<204800x128xf32, #tpu.memory_space<hbm>>, %arg7: memref<204800x128xf32, #tpu.memory_space<hbm>>, %arg8: memref<6400xi32, #tpu.memory_space<vmem>>, %arg9: memref<6400xi32, #tpu.memory_space<vmem>>, %arg10: memref<4x200x128xf32, #tpu.memory_space<vmem>>, %arg11: memref<4x!tpu.dma_semaphore, #tpu.memory_space<semaphore_mem>>, %arg12: memref<4x!tpu.dma_semaphore, #tpu.memory_space<semaphore_mem>>) attributes {dimension_semantics = [#tpu.dimension_semantics<core_parallel>, #tpu.dimension_semantics<subcore_parallel>], iteration_bounds = array<i64: 2, 16>, scalar_prefetch = 0 : i64, scratch_operands = 5 : i64, tpu.core_type = #tpu.core_type<sc_vector_subcore>, window_params = [{transform_indices = #map}, {transform_indices = #map}, {transform_indices = #map1}, {transform_indices = #map1}, {transform_indices = #map1}, {transform_indices = #map1}]} {
    %mul3A = arith.constant 2 : i32
    %mul3A_0 = arith.muli %arg1, %mul3A : i32
    %add3A = arith.addi %mul3A_0, %arg0 : i32
    %mul3A_1 = arith.constant 6400 : i32
    %mul3A_2 = arith.muli %add3A, %mul3A_1 : i32
    "tpu.region"() ({
      %run_scoped3A = tpu.sem_alloc : memref<!tpu.dma_semaphore, #tpu.memory_space<semaphore_mem>>
      %dma_start3A_490 = tpu.memref_slice %arg2[%mul3A_2] : memref<204800xi32, #tpu.memory_space<hbm>> -> memref<6400xi32, #tpu.memory_space<hbm>>
      %dma_start3A_491 = tpu.memref_slice %arg2[%mul3A_2] : memref<204800xi32, #tpu.memory_space<hbm>> -> memref<6400xi32, #tpu.memory_space<hbm>>
      tpu.enqueue_dma source(%dma_start3A_491 : memref<6400xi32, #tpu.memory_space<hbm>>) target(%arg8 : memref<6400xi32, #tpu.memory_space<vmem>>) target_semaphore(%run_scoped3A : memref<!tpu.dma_semaphore, #tpu.memory_space<semaphore_mem>>)
      %dma_wait3A_492 = tpu.memref_slice %arg2[%mul3A_2] : memref<204800xi32, #tpu.memory_space<hbm>> -> memref<6400xi32, #tpu.memory_space<hbm>>
      %dma_wait3A_493 = tpu.memref_slice %arg2[%mul3A_2] : memref<204800xi32, #tpu.memory_space<hbm>> -> memref<6400xi32, #tpu.memory_space<hbm>>
      tpu.wait_dma2 semaphore(%run_scoped3A : memref<!tpu.dma_semaphore, #tpu.memory_space<semaphore_mem>>) src(%dma_wait3A_493 : memref<6400xi32, #tpu.memory_space<hbm>>) dst(%arg8 : memref<6400xi32, #tpu.memory_space<vmem>>)
      tpu.yield
    }) : () -> ()
    "tpu.region"() ({
      %run_scoped3A = tpu.sem_alloc : memref<!tpu.dma_semaphore, #tpu.memory_space<semaphore_mem>>
      %dma_start3A_490 = tpu.memref_slice %arg3[%mul3A_2] : memref<204800xi32, #tpu.memory_space<hbm>> -> memref<6400xi32, #tpu.memory_space<hbm>>
      %dma_start3A_491 = tpu.memref_slice %arg3[%mul3A_2] : memref<204800xi32, #tpu.memory_space<hbm>> -> memref<6400xi32, #tpu.memory_space<hbm>>
      tpu.enqueue_dma source(%dma_start3A_491 : memref<6400xi32, #tpu.memory_space<hbm>>) target(%arg9 : memref<6400xi32, #tpu.memory_space<vmem>>) target_semaphore(%run_scoped3A : memref<!tpu.dma_semaphore, #tpu.memory_space<semaphore_mem>>)
      %dma_wait3A_492 = tpu.memref_slice %arg3[%mul3A_2] : memref<204800xi32, #tpu.memory_space<hbm>> -> memref<6400xi32, #tpu.memory_space<hbm>>
      %dma_wait3A_493 = tpu.memref_slice %arg3[%mul3A_2] : memref<204800xi32, #tpu.memory_space<hbm>> -> memref<6400xi32, #tpu.memory_space<hbm>>
      tpu.wait_dma2 semaphore(%run_scoped3A : memref<!tpu.dma_semaphore, #tpu.memory_space<semaphore_mem>>) src(%dma_wait3A_493 : memref<6400xi32, #tpu.memory_space<hbm>>) dst(%arg9 : memref<6400xi32, #tpu.memory_space<vmem>>)
      tpu.yield
    }) : () -> ()
    %dma_start3A = arith.constant 0 : i32
    %dma_start3A_3 = arith.constant 0 : i32
    %dma_start3A_4 = arith.constant 0 : i32
    %dma_start3A_5 = arith.constant 0 : i32
    %dma_start3A_6 = tpu.memref_slice %arg10[%dma_start3A, %dma_start3A_4, %dma_start3A_5] : memref<4x200x128xf32, #tpu.memory_space<vmem>> -> memref<1x200x128xf32, #tpu.memory_space<vmem>>
    %dma_start3A_7 = tpu.memref_squeeze %dma_start3A_6 : memref<1x200x128xf32, #tpu.memory_space<vmem>> -> memref<200x128xf32, #tpu.memory_space<vmem>>
    %dma_start3A_8 = arith.constant 0 : i32
    %dma_start3A_9 = tpu.memref_slice %arg8[%dma_start3A_8] : memref<6400xi32, #tpu.memory_space<vmem>> -> memref<200xi32, #tpu.memory_space<vmem>>
    %dma_start3A_10 = arith.constant 0 : i32
    %dma_start3A_11 = arith.constant 0 : i32
    %dma_start3A_12 = tpu.memref_slice %arg4[%dma_start3A_10, %dma_start3A_11] : memref<100000x128xf32, #tpu.memory_space<hbm>> -> memref<100000x128xf32, #tpu.memory_space<hbm>>
    %dma_start3A_13 = tpu.memref_slice %arg11[%dma_start3A_3] : memref<4x!tpu.dma_semaphore, #tpu.memory_space<semaphore_mem>> -> memref<1x!tpu.dma_semaphore, #tpu.memory_space<semaphore_mem>>
    %dma_start3A_14 = tpu.memref_squeeze %dma_start3A_13 : memref<1x!tpu.dma_semaphore, #tpu.memory_space<semaphore_mem>> -> memref<!tpu.dma_semaphore, #tpu.memory_space<semaphore_mem>>
    tpu.enqueue_indirect_dma source(%dma_start3A_12 : memref<100000x128xf32, #tpu.memory_space<hbm>>) target(%dma_start3A_7 : memref<200x128xf32, #tpu.memory_space<vmem>>) offsets(%dma_start3A_9 : memref<200xi32, #tpu.memory_space<vmem>>) semaphore(%dma_start3A_14 : memref<!tpu.dma_semaphore, #tpu.memory_space<semaphore_mem>>)
    %dma_start3A_15 = arith.constant 1 : i32
    %dma_start3A_16 = arith.constant 1 : i32
    %dma_start3A_17 = arith.constant 0 : i32
    %dma_start3A_18 = arith.constant 0 : i32
    %dma_start3A_19 = tpu.memref_slice %arg10[%dma_start3A_15, %dma_start3A_17, %dma_start3A_18] : memref<4x200x128xf32, #tpu.memory_space<vmem>> -> memref<1x200x128xf32, #tpu.memory_space<vmem>>
    %dma_start3A_20 = tpu.memref_squeeze %dma_start3A_19 : memref<1x200x128xf32, #tpu.memory_space<vmem>> -> memref<200x128xf32, #tpu.memory_space<vmem>>
    %dma_start3A_21 = arith.constant 200 : i32
    %dma_start3A_22 = tpu.memref_slice %arg8[%dma_start3A_21] : memref<6400xi32, #tpu.memory_space<vmem>> -> memref<200xi32, #tpu.memory_space<vmem>>
    %dma_start3A_23 = arith.constant 0 : i32
    %dma_start3A_24 = arith.constant 0 : i32
    %dma_start3A_25 = tpu.memref_slice %arg4[%dma_start3A_23, %dma_start3A_24] : memref<100000x128xf32, #tpu.memory_space<hbm>> -> memref<100000x128xf32, #tpu.memory_space<hbm>>
    %dma_start3A_26 = tpu.memref_slice %arg11[%dma_start3A_16] : memref<4x!tpu.dma_semaphore, #tpu.memory_space<semaphore_mem>> -> memref<1x!tpu.dma_semaphore, #tpu.memory_space<semaphore_mem>>
    %dma_start3A_27 = tpu.memref_squeeze %dma_start3A_26 : memref<1x!tpu.dma_semaphore, #tpu.memory_space<semaphore_mem>> -> memref<!tpu.dma_semaphore, #tpu.memory_space<semaphore_mem>>
    tpu.enqueue_indirect_dma source(%dma_start3A_25 : memref<100000x128xf32, #tpu.memory_space<hbm>>) target(%dma_start3A_20 : memref<200x128xf32, #tpu.memory_space<vmem>>) offsets(%dma_start3A_22 : memref<200xi32, #tpu.memory_space<vmem>>) semaphore(%dma_start3A_27 : memref<!tpu.dma_semaphore, #tpu.memory_space<semaphore_mem>>)
    %dma_start3A_28 = arith.constant 2 : i32
    %dma_start3A_29 = arith.constant 2 : i32
    %dma_start3A_30 = arith.constant 0 : i32
    %dma_start3A_31 = arith.constant 0 : i32
    %dma_start3A_32 = tpu.memref_slice %arg10[%dma_start3A_28, %dma_start3A_30, %dma_start3A_31] : memref<4x200x128xf32, #tpu.memory_space<vmem>> -> memref<1x200x128xf32, #tpu.memory_space<vmem>>
    %dma_start3A_33 = tpu.memref_squeeze %dma_start3A_32 : memref<1x200x128xf32, #tpu.memory_space<vmem>> -> memref<200x128xf32, #tpu.memory_space<vmem>>
    %dma_start3A_34 = arith.constant 400 : i32
    %dma_start3A_35 = tpu.memref_slice %arg8[%dma_start3A_34] : memref<6400xi32, #tpu.memory_space<vmem>> -> memref<200xi32, #tpu.memory_space<vmem>>
    %dma_start3A_36 = arith.constant 0 : i32
    %dma_start3A_37 = arith.constant 0 : i32
    %dma_start3A_38 = tpu.memref_slice %arg4[%dma_start3A_36, %dma_start3A_37] : memref<100000x128xf32, #tpu.memory_space<hbm>> -> memref<100000x128xf32, #tpu.memory_space<hbm>>
    %dma_start3A_39 = tpu.memref_slice %arg11[%dma_start3A_29] : memref<4x!tpu.dma_semaphore, #tpu.memory_space<semaphore_mem>> -> memref<1x!tpu.dma_semaphore, #tpu.memory_space<semaphore_mem>>
    %dma_start3A_40 = tpu.memref_squeeze %dma_start3A_39 : memref<1x!tpu.dma_semaphore, #tpu.memory_space<semaphore_mem>> -> memref<!tpu.dma_semaphore, #tpu.memory_space<semaphore_mem>>
    tpu.enqueue_indirect_dma source(%dma_start3A_38 : memref<100000x128xf32, #tpu.memory_space<hbm>>) target(%dma_start3A_33 : memref<200x128xf32, #tpu.memory_space<vmem>>) offsets(%dma_start3A_35 : memref<200xi32, #tpu.memory_space<vmem>>) semaphore(%dma_start3A_40 : memref<!tpu.dma_semaphore, #tpu.memory_space<semaphore_mem>>)
    %dma_start3A_41 = arith.constant 3 : i32
    %dma_start3A_42 = arith.constant 3 : i32
    %dma_start3A_43 = arith.constant 0 : i32
    %dma_start3A_44 = arith.constant 0 : i32
    %dma_start3A_45 = tpu.memref_slice %arg10[%dma_start3A_41, %dma_start3A_43, %dma_start3A_44] : memref<4x200x128xf32, #tpu.memory_space<vmem>> -> memref<1x200x128xf32, #tpu.memory_space<vmem>>
    %dma_start3A_46 = tpu.memref_squeeze %dma_start3A_45 : memref<1x200x128xf32, #tpu.memory_space<vmem>> -> memref<200x128xf32, #tpu.memory_space<vmem>>
    %dma_start3A_47 = arith.constant 600 : i32
    %dma_start3A_48 = tpu.memref_slice %arg8[%dma_start3A_47] : memref<6400xi32, #tpu.memory_space<vmem>> -> memref<200xi32, #tpu.memory_space<vmem>>
    %dma_start3A_49 = arith.constant 0 : i32
    %dma_start3A_50 = arith.constant 0 : i32
    %dma_start3A_51 = tpu.memref_slice %arg4[%dma_start3A_49, %dma_start3A_50] : memref<100000x128xf32, #tpu.memory_space<hbm>> -> memref<100000x128xf32, #tpu.memory_space<hbm>>
    %dma_start3A_52 = tpu.memref_slice %arg11[%dma_start3A_42] : memref<4x!tpu.dma_semaphore, #tpu.memory_space<semaphore_mem>> -> memref<1x!tpu.dma_semaphore, #tpu.memory_space<semaphore_mem>>
    %dma_start3A_53 = tpu.memref_squeeze %dma_start3A_52 : memref<1x!tpu.dma_semaphore, #tpu.memory_space<semaphore_mem>> -> memref<!tpu.dma_semaphore, #tpu.memory_space<semaphore_mem>>
    tpu.enqueue_indirect_dma source(%dma_start3A_51 : memref<100000x128xf32, #tpu.memory_space<hbm>>) target(%dma_start3A_46 : memref<200x128xf32, #tpu.memory_space<vmem>>) offsets(%dma_start3A_48 : memref<200xi32, #tpu.memory_space<vmem>>) semaphore(%dma_start3A_53 : memref<!tpu.dma_semaphore, #tpu.memory_space<semaphore_mem>>)
    %scan3A = arith.constant 0 : i32
    %scan3A_54 = arith.constant 7 : i32
    %scan3A_55 = arith.addi %scan3A, %scan3A_54 : i32
    %scan3A_56 = arith.constant 1 : i32
    scf.for %scan3A_490 = %scan3A to %scan3A_55 step %scan3A_56  : i32 {
      %mul3A_491 = arith.constant 4 : i32
      %mul3A_492 = arith.muli %scan3A_490, %mul3A_491 : i32
      %add3A_493 = arith.constant 4 : i32
      %add3A_494 = arith.addi %add3A_493, %mul3A_492 : i32
      %dma_wait3A_495 = arith.constant 0 : i32
      %dma_wait3A_496 = arith.constant 0 : i32
      %dma_wait3A_497 = arith.constant 0 : i32
      %dma_wait3A_498 = arith.constant 0 : i32
      %dma_wait3A_499 = tpu.memref_slice %arg10[%dma_wait3A_495, %dma_wait3A_497, %dma_wait3A_498] : memref<4x200x128xf32, #tpu.memory_space<vmem>> -> memref<1x200x128xf32, #tpu.memory_space<vmem>>
      %dma_wait3A_500 = tpu.memref_squeeze %dma_wait3A_499 : memref<1x200x128xf32, #tpu.memory_space<vmem>> -> memref<200x128xf32, #tpu.memory_space<vmem>>
      %dma_wait3A_501 = arith.constant 0 : i32
      %dma_wait3A_502 = tpu.memref_slice %arg8[%dma_wait3A_501] : memref<6400xi32, #tpu.memory_space<vmem>> -> memref<200xi32, #tpu.memory_space<vmem>>
      %dma_wait3A_503 = arith.constant 0 : i32
      %dma_wait3A_504 = arith.constant 0 : i32
      %dma_wait3A_505 = tpu.memref_slice %arg4[%dma_wait3A_503, %dma_wait3A_504] : memref<100000x128xf32, #tpu.memory_space<hbm>> -> memref<100000x128xf32, #tpu.memory_space<hbm>>
      %dma_wait3A_506 = tpu.memref_slice %arg11[%dma_wait3A_496] : memref<4x!tpu.dma_semaphore, #tpu.memory_space<semaphore_mem>> -> memref<1x!tpu.dma_semaphore, #tpu.memory_space<semaphore_mem>>
      %dma_wait3A_507 = tpu.memref_squeeze %dma_wait3A_506 : memref<1x!tpu.dma_semaphore, #tpu.memory_space<semaphore_mem>> -> memref<!tpu.dma_semaphore, #tpu.memory_space<semaphore_mem>>
      tpu.wait_indirect_dma semaphore(%dma_wait3A_507 : memref<!tpu.dma_semaphore, #tpu.memory_space<semaphore_mem>>) src(%dma_wait3A_505 : memref<100000x128xf32, #tpu.memory_space<hbm>>) dst(%dma_wait3A_500 : memref<200x128xf32, #tpu.memory_space<vmem>>)
      %sub3A = arith.constant 4 : i32
      %sub3A_508 = arith.subi %add3A_494, %sub3A : i32
      %add3A_509 = arith.constant 0 : i32
      %add3A_510 = arith.addi %sub3A_508, %add3A_509 : i32
      %mul3A_511 = arith.constant 200 : i32
      %mul3A_512 = arith.muli %add3A_510, %mul3A_511 : i32
      %add3A_513 = arith.addi %mul3A_2, %mul3A_512 : i32
      %dma_start3A_514 = arith.constant 0 : i32
      %dma_start3A_515 = arith.constant 0 : i32
      %dma_start3A_516 = arith.constant 0 : i32
      %dma_start3A_517 = arith.constant 0 : i32
      %dma_start3A_518 = tpu.memref_slice %arg10[%dma_start3A_514, %dma_start3A_516, %dma_start3A_517] : memref<4x200x128xf32, #tpu.memory_space<vmem>> -> memref<1x200x128xf32, #tpu.memory_space<vmem>>
      %dma_start3A_519 = tpu.memref_squeeze %dma_start3A_518 : memref<1x200x128xf32, #tpu.memory_space<vmem>> -> memref<200x128xf32, #tpu.memory_space<vmem>>
      %dma_start3A_520 = arith.constant 0 : i32
      %dma_start3A_521 = tpu.memref_slice %arg6[%add3A_513, %dma_start3A_520] : memref<204800x128xf32, #tpu.memory_space<hbm>> -> memref<200x128xf32, #tpu.memory_space<hbm>>
      %dma_start3A_522 = tpu.memref_slice %arg12[%dma_start3A_515] : memref<4x!tpu.dma_semaphore, #tpu.memory_space<semaphore_mem>> -> memref<1x!tpu.dma_semaphore, #tpu.memory_space<semaphore_mem>>
      %dma_start3A_523 = tpu.memref_squeeze %dma_start3A_522 : memref<1x!tpu.dma_semaphore, #tpu.memory_space<semaphore_mem>> -> memref<!tpu.dma_semaphore, #tpu.memory_space<semaphore_mem>>
      %dma_start3A_524 = arith.constant 0 : i32
      %dma_start3A_525 = tpu.memref_slice %arg6[%add3A_513, %dma_start3A_524] : memref<204800x128xf32, #tpu.memory_space<hbm>> -> memref<200x128xf32, #tpu.memory_space<hbm>>
      %dma_start3A_526 = arith.constant 0 : i32
      %dma_start3A_527 = arith.constant 0 : i32
      %dma_start3A_528 = tpu.memref_slice %arg10[%dma_start3A_514, %dma_start3A_526, %dma_start3A_527] : memref<4x200x128xf32, #tpu.memory_space<vmem>> -> memref<1x200x128xf32, #tpu.memory_space<vmem>>
      %dma_start3A_529 = tpu.memref_squeeze %dma_start3A_528 : memref<1x200x128xf32, #tpu.memory_space<vmem>> -> memref<200x128xf32, #tpu.memory_space<vmem>>
      tpu.enqueue_dma source(%dma_start3A_529 : memref<200x128xf32, #tpu.memory_space<vmem>>) target(%dma_start3A_525 : memref<200x128xf32, #tpu.memory_space<hbm>>) target_semaphore(%dma_start3A_523 : memref<!tpu.dma_semaphore, #tpu.memory_space<semaphore_mem>>)
      %dma_wait3A_530 = arith.constant 0 : i32
      %dma_wait3A_531 = arith.constant 0 : i32
      %dma_wait3A_532 = arith.constant 0 : i32
      %dma_wait3A_533 = arith.constant 0 : i32
      %dma_wait3A_534 = tpu.memref_slice %arg10[%dma_wait3A_530, %dma_wait3A_532, %dma_wait3A_533] : memref<4x200x128xf32, #tpu.memory_space<vmem>> -> memref<1x200x128xf32, #tpu.memory_space<vmem>>
      %dma_wait3A_535 = tpu.memref_squeeze %dma_wait3A_534 : memref<1x200x128xf32, #tpu.memory_space<vmem>> -> memref<200x128xf32, #tpu.memory_space<vmem>>
      %dma_wait3A_536 = arith.constant 0 : i32
      %dma_wait3A_537 = tpu.memref_slice %arg6[%mul3A_2, %dma_wait3A_536] : memref<204800x128xf32, #tpu.memory_space<hbm>> -> memref<200x128xf32, #tpu.memory_space<hbm>>
      %dma_wait3A_538 = tpu.memref_slice %arg12[%dma_wait3A_531] : memref<4x!tpu.dma_semaphore, #tpu.memory_space<semaphore_mem>> -> memref<1x!tpu.dma_semaphore, #tpu.memory_space<semaphore_mem>>
      %dma_wait3A_539 = tpu.memref_squeeze %dma_wait3A_538 : memref<1x!tpu.dma_semaphore, #tpu.memory_space<semaphore_mem>> -> memref<!tpu.dma_semaphore, #tpu.memory_space<semaphore_mem>>
      %dma_wait3A_540 = arith.constant 0 : i32
      %dma_wait3A_541 = tpu.memref_slice %arg6[%mul3A_2, %dma_wait3A_540] : memref<204800x128xf32, #tpu.memory_space<hbm>> -> memref<200x128xf32, #tpu.memory_space<hbm>>
      %dma_wait3A_542 = arith.constant 0 : i32
      %dma_wait3A_543 = arith.constant 0 : i32
      %dma_wait3A_544 = tpu.memref_slice %arg10[%dma_wait3A_530, %dma_wait3A_542, %dma_wait3A_543] : memref<4x200x128xf32, #tpu.memory_space<vmem>> -> memref<1x200x128xf32, #tpu.memory_space<vmem>>
      %dma_wait3A_545 = tpu.memref_squeeze %dma_wait3A_544 : memref<1x200x128xf32, #tpu.memory_space<vmem>> -> memref<200x128xf32, #tpu.memory_space<vmem>>
      tpu.wait_dma2 semaphore(%dma_wait3A_539 : memref<!tpu.dma_semaphore, #tpu.memory_space<semaphore_mem>>) src(%dma_wait3A_545 : memref<200x128xf32, #tpu.memory_space<vmem>>) dst(%dma_wait3A_541 : memref<200x128xf32, #tpu.memory_space<hbm>>)
      %add3A_546 = arith.constant 0 : i32
      %add3A_547 = arith.addi %add3A_494, %add3A_546 : i32
      %mul3A_548 = arith.constant 200 : i32
      %mul3A_549 = arith.muli %add3A_547, %mul3A_548 : i32
      %dma_start3A_550 = arith.constant 0 : i32
      %dma_start3A_551 = arith.constant 0 : i32
      %dma_start3A_552 = arith.constant 0 : i32
      %dma_start3A_553 = arith.constant 0 : i32
      %dma_start3A_554 = tpu.memref_slice %arg10[%dma_start3A_550, %dma_start3A_552, %dma_start3A_553] : memref<4x200x128xf32, #tpu.memory_space<vmem>> -> memref<1x200x128xf32, #tpu.memory_space<vmem>>
      %dma_start3A_555 = tpu.memref_squeeze %dma_start3A_554 : memref<1x200x128xf32, #tpu.memory_space<vmem>> -> memref<200x128xf32, #tpu.memory_space<vmem>>
      %dma_start3A_556 = tpu.memref_slice %arg8[%mul3A_549] : memref<6400xi32, #tpu.memory_space<vmem>> -> memref<200xi32, #tpu.memory_space<vmem>>
      %dma_start3A_557 = arith.constant 0 : i32
      %dma_start3A_558 = arith.constant 0 : i32
      %dma_start3A_559 = tpu.memref_slice %arg4[%dma_start3A_557, %dma_start3A_558] : memref<100000x128xf32, #tpu.memory_space<hbm>> -> memref<100000x128xf32, #tpu.memory_space<hbm>>
      %dma_start3A_560 = tpu.memref_slice %arg11[%dma_start3A_551] : memref<4x!tpu.dma_semaphore, #tpu.memory_space<semaphore_mem>> -> memref<1x!tpu.dma_semaphore, #tpu.memory_space<semaphore_mem>>
      %dma_start3A_561 = tpu.memref_squeeze %dma_start3A_560 : memref<1x!tpu.dma_semaphore, #tpu.memory_space<semaphore_mem>> -> memref<!tpu.dma_semaphore, #tpu.memory_space<semaphore_mem>>
      tpu.enqueue_indirect_dma source(%dma_start3A_559 : memref<100000x128xf32, #tpu.memory_space<hbm>>) target(%dma_start3A_555 : memref<200x128xf32, #tpu.memory_space<vmem>>) offsets(%dma_start3A_556 : memref<200xi32, #tpu.memory_space<vmem>>) semaphore(%dma_start3A_561 : memref<!tpu.dma_semaphore, #tpu.memory_space<semaphore_mem>>)
      %dma_wait3A_562 = arith.constant 1 : i32
      %dma_wait3A_563 = arith.constant 1 : i32
      %dma_wait3A_564 = arith.constant 0 : i32
      %dma_wait3A_565 = arith.constant 0 : i32
      %dma_wait3A_566 = tpu.memref_slice %arg10[%dma_wait3A_562, %dma_wait3A_564, %dma_wait3A_565] : memref<4x200x128xf32, #tpu.memory_space<vmem>> -> memref<1x200x128xf32, #tpu.memory_space<vmem>>
      %dma_wait3A_567 = tpu.memref_squeeze %dma_wait3A_566 : memref<1x200x128xf32, #tpu.memory_space<vmem>> -> memref<200x128xf32, #tpu.memory_space<vmem>>
      %dma_wait3A_568 = arith.constant 0 : i32
      %dma_wait3A_569 = tpu.memref_slice %arg8[%dma_wait3A_568] : memref<6400xi32, #tpu.memory_space<vmem>> -> memref<200xi32, #tpu.memory_space<vmem>>
      %dma_wait3A_570 = arith.constant 0 : i32
      %dma_wait3A_571 = arith.constant 0 : i32
      %dma_wait3A_572 = tpu.memref_slice %arg4[%dma_wait3A_570, %dma_wait3A_571] : memref<100000x128xf32, #tpu.memory_space<hbm>> -> memref<100000x128xf32, #tpu.memory_space<hbm>>
      %dma_wait3A_573 = tpu.memref_slice %arg11[%dma_wait3A_563] : memref<4x!tpu.dma_semaphore, #tpu.memory_space<semaphore_mem>> -> memref<1x!tpu.dma_semaphore, #tpu.memory_space<semaphore_mem>>
      %dma_wait3A_574 = tpu.memref_squeeze %dma_wait3A_573 : memref<1x!tpu.dma_semaphore, #tpu.memory_space<semaphore_mem>> -> memref<!tpu.dma_semaphore, #tpu.memory_space<semaphore_mem>>
      tpu.wait_indirect_dma semaphore(%dma_wait3A_574 : memref<!tpu.dma_semaphore, #tpu.memory_space<semaphore_mem>>) src(%dma_wait3A_572 : memref<100000x128xf32, #tpu.memory_space<hbm>>) dst(%dma_wait3A_567 : memref<200x128xf32, #tpu.memory_space<vmem>>)
      %sub3A_575 = arith.constant 4 : i32
      %sub3A_576 = arith.subi %add3A_494, %sub3A_575 : i32
      %add3A_577 = arith.constant 1 : i32
      %add3A_578 = arith.addi %sub3A_576, %add3A_577 : i32
      %mul3A_579 = arith.constant 200 : i32
      %mul3A_580 = arith.muli %add3A_578, %mul3A_579 : i32
      %add3A_581 = arith.addi %mul3A_2, %mul3A_580 : i32
      %dma_start3A_582 = arith.constant 1 : i32
      %dma_start3A_583 = arith.constant 1 : i32
      %dma_start3A_584 = arith.constant 0 : i32
      %dma_start3A_585 = arith.constant 0 : i32
      %dma_start3A_586 = tpu.memref_slice %arg10[%dma_start3A_582, %dma_start3A_584, %dma_start3A_585] : memref<4x200x128xf32, #tpu.memory_space<vmem>> -> memref<1x200x128xf32, #tpu.memory_space<vmem>>
      %dma_start3A_587 = tpu.memref_squeeze %dma_start3A_586 : memref<1x200x128xf32, #tpu.memory_space<vmem>> -> memref<200x128xf32, #tpu.memory_space<vmem>>
      %dma_start3A_588 = arith.constant 0 : i32
      %dma_start3A_589 = tpu.memref_slice %arg6[%add3A_581, %dma_start3A_588] : memref<204800x128xf32, #tpu.memory_space<hbm>> -> memref<200x128xf32, #tpu.memory_space<hbm>>
      %dma_start3A_590 = tpu.memref_slice %arg12[%dma_start3A_583] : memref<4x!tpu.dma_semaphore, #tpu.memory_space<semaphore_mem>> -> memref<1x!tpu.dma_semaphore, #tpu.memory_space<semaphore_mem>>
      %dma_start3A_591 = tpu.memref_squeeze %dma_start3A_590 : memref<1x!tpu.dma_semaphore, #tpu.memory_space<semaphore_mem>> -> memref<!tpu.dma_semaphore, #tpu.memory_space<semaphore_mem>>
      %dma_start3A_592 = arith.constant 0 : i32
      %dma_start3A_593 = tpu.memref_slice %arg6[%add3A_581, %dma_start3A_592] : memref<204800x128xf32, #tpu.memory_space<hbm>> -> memref<200x128xf32, #tpu.memory_space<hbm>>
      %dma_start3A_594 = arith.constant 0 : i32
      %dma_start3A_595 = arith.constant 0 : i32
      %dma_start3A_596 = tpu.memref_slice %arg10[%dma_start3A_582, %dma_start3A_594, %dma_start3A_595] : memref<4x200x128xf32, #tpu.memory_space<vmem>> -> memref<1x200x128xf32, #tpu.memory_space<vmem>>
      %dma_start3A_597 = tpu.memref_squeeze %dma_start3A_596 : memref<1x200x128xf32, #tpu.memory_space<vmem>> -> memref<200x128xf32, #tpu.memory_space<vmem>>
      tpu.enqueue_dma source(%dma_start3A_597 : memref<200x128xf32, #tpu.memory_space<vmem>>) target(%dma_start3A_593 : memref<200x128xf32, #tpu.memory_space<hbm>>) target_semaphore(%dma_start3A_591 : memref<!tpu.dma_semaphore, #tpu.memory_space<semaphore_mem>>)
      %dma_wait3A_598 = arith.constant 1 : i32
      %dma_wait3A_599 = arith.constant 1 : i32
      %dma_wait3A_600 = arith.constant 0 : i32
      %dma_wait3A_601 = arith.constant 0 : i32
      %dma_wait3A_602 = tpu.memref_slice %arg10[%dma_wait3A_598, %dma_wait3A_600, %dma_wait3A_601] : memref<4x200x128xf32, #tpu.memory_space<vmem>> -> memref<1x200x128xf32, #tpu.memory_space<vmem>>
      %dma_wait3A_603 = tpu.memref_squeeze %dma_wait3A_602 : memref<1x200x128xf32, #tpu.memory_space<vmem>> -> memref<200x128xf32, #tpu.memory_space<vmem>>
      %dma_wait3A_604 = arith.constant 0 : i32
      %dma_wait3A_605 = tpu.memref_slice %arg6[%mul3A_2, %dma_wait3A_604] : memref<204800x128xf32, #tpu.memory_space<hbm>> -> memref<200x128xf32, #tpu.memory_space<hbm>>
      %dma_wait3A_606 = tpu.memref_slice %arg12[%dma_wait3A_599] : memref<4x!tpu.dma_semaphore, #tpu.memory_space<semaphore_mem>> -> memref<1x!tpu.dma_semaphore, #tpu.memory_space<semaphore_mem>>
      %dma_wait3A_607 = tpu.memref_squeeze %dma_wait3A_606 : memref<1x!tpu.dma_semaphore, #tpu.memory_space<semaphore_mem>> -> memref<!tpu.dma_semaphore, #tpu.memory_space<semaphore_mem>>
      %dma_wait3A_608 = arith.constant 0 : i32
      %dma_wait3A_609 = tpu.memref_slice %arg6[%mul3A_2, %dma_wait3A_608] : memref<204800x128xf32, #tpu.memory_space<hbm>> -> memref<200x128xf32, #tpu.memory_space<hbm>>
      %dma_wait3A_610 = arith.constant 0 : i32
      %dma_wait3A_611 = arith.constant 0 : i32
      %dma_wait3A_612 = tpu.memref_slice %arg10[%dma_wait3A_598, %dma_wait3A_610, %dma_wait3A_611] : memref<4x200x128xf32, #tpu.memory_space<vmem>> -> memref<1x200x128xf32, #tpu.memory_space<vmem>>
      %dma_wait3A_613 = tpu.memref_squeeze %dma_wait3A_612 : memref<1x200x128xf32, #tpu.memory_space<vmem>> -> memref<200x128xf32, #tpu.memory_space<vmem>>
      tpu.wait_dma2 semaphore(%dma_wait3A_607 : memref<!tpu.dma_semaphore, #tpu.memory_space<semaphore_mem>>) src(%dma_wait3A_613 : memref<200x128xf32, #tpu.memory_space<vmem>>) dst(%dma_wait3A_609 : memref<200x128xf32, #tpu.memory_space<hbm>>)
      %add3A_614 = arith.constant 1 : i32
      %add3A_615 = arith.addi %add3A_494, %add3A_614 : i32
      %mul3A_616 = arith.constant 200 : i32
      %mul3A_617 = arith.muli %add3A_615, %mul3A_616 : i32
      %dma_start3A_618 = arith.constant 1 : i32
      %dma_start3A_619 = arith.constant 1 : i32
      %dma_start3A_620 = arith.constant 0 : i32
      %dma_start3A_621 = arith.constant 0 : i32
      %dma_start3A_622 = tpu.memref_slice %arg10[%dma_start3A_618, %dma_start3A_620, %dma_start3A_621] : memref<4x200x128xf32, #tpu.memory_space<vmem>> -> memref<1x200x128xf32, #tpu.memory_space<vmem>>
      %dma_start3A_623 = tpu.memref_squeeze %dma_start3A_622 : memref<1x200x128xf32, #tpu.memory_space<vmem>> -> memref<200x128xf32, #tpu.memory_space<vmem>>
      %dma_start3A_624 = tpu.memref_slice %arg8[%mul3A_617] : memref<6400xi32, #tpu.memory_space<vmem>> -> memref<200xi32, #tpu.memory_space<vmem>>
      %dma_start3A_625 = arith.constant 0 : i32
      %dma_start3A_626 = arith.constant 0 : i32
      %dma_start3A_627 = tpu.memref_slice %arg4[%dma_start3A_625, %dma_start3A_626] : memref<100000x128xf32, #tpu.memory_space<hbm>> -> memref<100000x128xf32, #tpu.memory_space<hbm>>
      %dma_start3A_628 = tpu.memref_slice %arg11[%dma_start3A_619] : memref<4x!tpu.dma_semaphore, #tpu.memory_space<semaphore_mem>> -> memref<1x!tpu.dma_semaphore, #tpu.memory_space<semaphore_mem>>
      %dma_start3A_629 = tpu.memref_squeeze %dma_start3A_628 : memref<1x!tpu.dma_semaphore, #tpu.memory_space<semaphore_mem>> -> memref<!tpu.dma_semaphore, #tpu.memory_space<semaphore_mem>>
      tpu.enqueue_indirect_dma source(%dma_start3A_627 : memref<100000x128xf32, #tpu.memory_space<hbm>>) target(%dma_start3A_623 : memref<200x128xf32, #tpu.memory_space<vmem>>) offsets(%dma_start3A_624 : memref<200xi32, #tpu.memory_space<vmem>>) semaphore(%dma_start3A_629 : memref<!tpu.dma_semaphore, #tpu.memory_space<semaphore_mem>>)
      %dma_wait3A_630 = arith.constant 2 : i32
      %dma_wait3A_631 = arith.constant 2 : i32
      %dma_wait3A_632 = arith.constant 0 : i32
      %dma_wait3A_633 = arith.constant 0 : i32
      %dma_wait3A_634 = tpu.memref_slice %arg10[%dma_wait3A_630, %dma_wait3A_632, %dma_wait3A_633] : memref<4x200x128xf32, #tpu.memory_space<vmem>> -> memref<1x200x128xf32, #tpu.memory_space<vmem>>
      %dma_wait3A_635 = tpu.memref_squeeze %dma_wait3A_634 : memref<1x200x128xf32, #tpu.memory_space<vmem>> -> memref<200x128xf32, #tpu.memory_space<vmem>>
      %dma_wait3A_636 = arith.constant 0 : i32
      %dma_wait3A_637 = tpu.memref_slice %arg8[%dma_wait3A_636] : memref<6400xi32, #tpu.memory_space<vmem>> -> memref<200xi32, #tpu.memory_space<vmem>>
      %dma_wait3A_638 = arith.constant 0 : i32
      %dma_wait3A_639 = arith.constant 0 : i32
      %dma_wait3A_640 = tpu.memref_slice %arg4[%dma_wait3A_638, %dma_wait3A_639] : memref<100000x128xf32, #tpu.memory_space<hbm>> -> memref<100000x128xf32, #tpu.memory_space<hbm>>
      %dma_wait3A_641 = tpu.memref_slice %arg11[%dma_wait3A_631] : memref<4x!tpu.dma_semaphore, #tpu.memory_space<semaphore_mem>> -> memref<1x!tpu.dma_semaphore, #tpu.memory_space<semaphore_mem>>
      %dma_wait3A_642 = tpu.memref_squeeze %dma_wait3A_641 : memref<1x!tpu.dma_semaphore, #tpu.memory_space<semaphore_mem>> -> memref<!tpu.dma_semaphore, #tpu.memory_space<semaphore_mem>>
      tpu.wait_indirect_dma semaphore(%dma_wait3A_642 : memref<!tpu.dma_semaphore, #tpu.memory_space<semaphore_mem>>) src(%dma_wait3A_640 : memref<100000x128xf32, #tpu.memory_space<hbm>>) dst(%dma_wait3A_635 : memref<200x128xf32, #tpu.memory_space<vmem>>)
      %sub3A_643 = arith.constant 4 : i32
      %sub3A_644 = arith.subi %add3A_494, %sub3A_643 : i32
      %add3A_645 = arith.constant 2 : i32
      %add3A_646 = arith.addi %sub3A_644, %add3A_645 : i32
      %mul3A_647 = arith.constant 200 : i32
      %mul3A_648 = arith.muli %add3A_646, %mul3A_647 : i32
      %add3A_649 = arith.addi %mul3A_2, %mul3A_648 : i32
      %dma_start3A_650 = arith.constant 2 : i32
      %dma_start3A_651 = arith.constant 2 : i32
      %dma_start3A_652 = arith.constant 0 : i32
      %dma_start3A_653 = arith.constant 0 : i32
      %dma_start3A_654 = tpu.memref_slice %arg10[%dma_start3A_650, %dma_start3A_652, %dma_start3A_653] : memref<4x200x128xf32, #tpu.memory_space<vmem>> -> memref<1x200x128xf32, #tpu.memory_space<vmem>>
      %dma_start3A_655 = tpu.memref_squeeze %dma_start3A_654 : memref<1x200x128xf32, #tpu.memory_space<vmem>> -> memref<200x128xf32, #tpu.memory_space<vmem>>
      %dma_start3A_656 = arith.constant 0 : i32
      %dma_start3A_657 = tpu.memref_slice %arg6[%add3A_649, %dma_start3A_656] : memref<204800x128xf32, #tpu.memory_space<hbm>> -> memref<200x128xf32, #tpu.memory_space<hbm>>
      %dma_start3A_658 = tpu.memref_slice %arg12[%dma_start3A_651] : memref<4x!tpu.dma_semaphore, #tpu.memory_space<semaphore_mem>> -> memref<1x!tpu.dma_semaphore, #tpu.memory_space<semaphore_mem>>
      %dma_start3A_659 = tpu.memref_squeeze %dma_start3A_658 : memref<1x!tpu.dma_semaphore, #tpu.memory_space<semaphore_mem>> -> memref<!tpu.dma_semaphore, #tpu.memory_space<semaphore_mem>>
      %dma_start3A_660 = arith.constant 0 : i32
      %dma_start3A_661 = tpu.memref_slice %arg6[%add3A_649, %dma_start3A_660] : memref<204800x128xf32, #tpu.memory_space<hbm>> -> memref<200x128xf32, #tpu.memory_space<hbm>>
      %dma_start3A_662 = arith.constant 0 : i32
      %dma_start3A_663 = arith.constant 0 : i32
      %dma_start3A_664 = tpu.memref_slice %arg10[%dma_start3A_650, %dma_start3A_662, %dma_start3A_663] : memref<4x200x128xf32, #tpu.memory_space<vmem>> -> memref<1x200x128xf32, #tpu.memory_space<vmem>>
      %dma_start3A_665 = tpu.memref_squeeze %dma_start3A_664 : memref<1x200x128xf32, #tpu.memory_space<vmem>> -> memref<200x128xf32, #tpu.memory_space<vmem>>
      tpu.enqueue_dma source(%dma_start3A_665 : memref<200x128xf32, #tpu.memory_space<vmem>>) target(%dma_start3A_661 : memref<200x128xf32, #tpu.memory_space<hbm>>) target_semaphore(%dma_start3A_659 : memref<!tpu.dma_semaphore, #tpu.memory_space<semaphore_mem>>)
      %dma_wait3A_666 = arith.constant 2 : i32
      %dma_wait3A_667 = arith.constant 2 : i32
      %dma_wait3A_668 = arith.constant 0 : i32
      %dma_wait3A_669 = arith.constant 0 : i32
      %dma_wait3A_670 = tpu.memref_slice %arg10[%dma_wait3A_666, %dma_wait3A_668, %dma_wait3A_669] : memref<4x200x128xf32, #tpu.memory_space<vmem>> -> memref<1x200x128xf32, #tpu.memory_space<vmem>>
      %dma_wait3A_671 = tpu.memref_squeeze %dma_wait3A_670 : memref<1x200x128xf32, #tpu.memory_space<vmem>> -> memref<200x128xf32, #tpu.memory_space<vmem>>
      %dma_wait3A_672 = arith.constant 0 : i32
      %dma_wait3A_673 = tpu.memref_slice %arg6[%mul3A_2, %dma_wait3A_672] : memref<204800x128xf32, #tpu.memory_space<hbm>> -> memref<200x128xf32, #tpu.memory_space<hbm>>
      %dma_wait3A_674 = tpu.memref_slice %arg12[%dma_wait3A_667] : memref<4x!tpu.dma_semaphore, #tpu.memory_space<semaphore_mem>> -> memref<1x!tpu.dma_semaphore, #tpu.memory_space<semaphore_mem>>
      %dma_wait3A_675 = tpu.memref_squeeze %dma_wait3A_674 : memref<1x!tpu.dma_semaphore, #tpu.memory_space<semaphore_mem>> -> memref<!tpu.dma_semaphore, #tpu.memory_space<semaphore_mem>>
      %dma_wait3A_676 = arith.constant 0 : i32
      %dma_wait3A_677 = tpu.memref_slice %arg6[%mul3A_2, %dma_wait3A_676] : memref<204800x128xf32, #tpu.memory_space<hbm>> -> memref<200x128xf32, #tpu.memory_space<hbm>>
      %dma_wait3A_678 = arith.constant 0 : i32
      %dma_wait3A_679 = arith.constant 0 : i32
      %dma_wait3A_680 = tpu.memref_slice %arg10[%dma_wait3A_666, %dma_wait3A_678, %dma_wait3A_679] : memref<4x200x128xf32, #tpu.memory_space<vmem>> -> memref<1x200x128xf32, #tpu.memory_space<vmem>>
      %dma_wait3A_681 = tpu.memref_squeeze %dma_wait3A_680 : memref<1x200x128xf32, #tpu.memory_space<vmem>> -> memref<200x128xf32, #tpu.memory_space<vmem>>
      tpu.wait_dma2 semaphore(%dma_wait3A_675 : memref<!tpu.dma_semaphore, #tpu.memory_space<semaphore_mem>>) src(%dma_wait3A_681 : memref<200x128xf32, #tpu.memory_space<vmem>>) dst(%dma_wait3A_677 : memref<200x128xf32, #tpu.memory_space<hbm>>)
      %add3A_682 = arith.constant 2 : i32
      %add3A_683 = arith.addi %add3A_494, %add3A_682 : i32
      %mul3A_684 = arith.constant 200 : i32
      %mul3A_685 = arith.muli %add3A_683, %mul3A_684 : i32
      %dma_start3A_686 = arith.constant 2 : i32
      %dma_start3A_687 = arith.constant 2 : i32
      %dma_start3A_688 = arith.constant 0 : i32
      %dma_start3A_689 = arith.constant 0 : i32
      %dma_start3A_690 = tpu.memref_slice %arg10[%dma_start3A_686, %dma_start3A_688, %dma_start3A_689] : memref<4x200x128xf32, #tpu.memory_space<vmem>> -> memref<1x200x128xf32, #tpu.memory_space<vmem>>
      %dma_start3A_691 = tpu.memref_squeeze %dma_start3A_690 : memref<1x200x128xf32, #tpu.memory_space<vmem>> -> memref<200x128xf32, #tpu.memory_space<vmem>>
      %dma_start3A_692 = tpu.memref_slice %arg8[%mul3A_685] : memref<6400xi32, #tpu.memory_space<vmem>> -> memref<200xi32, #tpu.memory_space<vmem>>
      %dma_start3A_693 = arith.constant 0 : i32
      %dma_start3A_694 = arith.constant 0 : i32
      %dma_start3A_695 = tpu.memref_slice %arg4[%dma_start3A_693, %dma_start3A_694] : memref<100000x128xf32, #tpu.memory_space<hbm>> -> memref<100000x128xf32, #tpu.memory_space<hbm>>
      %dma_start3A_696 = tpu.memref_slice %arg11[%dma_start3A_687] : memref<4x!tpu.dma_semaphore, #tpu.memory_space<semaphore_mem>> -> memref<1x!tpu.dma_semaphore, #tpu.memory_space<semaphore_mem>>
      %dma_start3A_697 = tpu.memref_squeeze %dma_start3A_696 : memref<1x!tpu.dma_semaphore, #tpu.memory_space<semaphore_mem>> -> memref<!tpu.dma_semaphore, #tpu.memory_space<semaphore_mem>>
      tpu.enqueue_indirect_dma source(%dma_start3A_695 : memref<100000x128xf32, #tpu.memory_space<hbm>>) target(%dma_start3A_691 : memref<200x128xf32, #tpu.memory_space<vmem>>) offsets(%dma_start3A_692 : memref<200xi32, #tpu.memory_space<vmem>>) semaphore(%dma_start3A_697 : memref<!tpu.dma_semaphore, #tpu.memory_space<semaphore_mem>>)
      %dma_wait3A_698 = arith.constant 3 : i32
      %dma_wait3A_699 = arith.constant 3 : i32
      %dma_wait3A_700 = arith.constant 0 : i32
      %dma_wait3A_701 = arith.constant 0 : i32
      %dma_wait3A_702 = tpu.memref_slice %arg10[%dma_wait3A_698, %dma_wait3A_700, %dma_wait3A_701] : memref<4x200x128xf32, #tpu.memory_space<vmem>> -> memref<1x200x128xf32, #tpu.memory_space<vmem>>
      %dma_wait3A_703 = tpu.memref_squeeze %dma_wait3A_702 : memref<1x200x128xf32, #tpu.memory_space<vmem>> -> memref<200x128xf32, #tpu.memory_space<vmem>>
      %dma_wait3A_704 = arith.constant 0 : i32
      %dma_wait3A_705 = tpu.memref_slice %arg8[%dma_wait3A_704] : memref<6400xi32, #tpu.memory_space<vmem>> -> memref<200xi32, #tpu.memory_space<vmem>>
      %dma_wait3A_706 = arith.constant 0 : i32
      %dma_wait3A_707 = arith.constant 0 : i32
      %dma_wait3A_708 = tpu.memref_slice %arg4[%dma_wait3A_706, %dma_wait3A_707] : memref<100000x128xf32, #tpu.memory_space<hbm>> -> memref<100000x128xf32, #tpu.memory_space<hbm>>
      %dma_wait3A_709 = tpu.memref_slice %arg11[%dma_wait3A_699] : memref<4x!tpu.dma_semaphore, #tpu.memory_space<semaphore_mem>> -> memref<1x!tpu.dma_semaphore, #tpu.memory_space<semaphore_mem>>
      %dma_wait3A_710 = tpu.memref_squeeze %dma_wait3A_709 : memref<1x!tpu.dma_semaphore, #tpu.memory_space<semaphore_mem>> -> memref<!tpu.dma_semaphore, #tpu.memory_space<semaphore_mem>>
      tpu.wait_indirect_dma semaphore(%dma_wait3A_710 : memref<!tpu.dma_semaphore, #tpu.memory_space<semaphore_mem>>) src(%dma_wait3A_708 : memref<100000x128xf32, #tpu.memory_space<hbm>>) dst(%dma_wait3A_703 : memref<200x128xf32, #tpu.memory_space<vmem>>)
      %sub3A_711 = arith.constant 4 : i32
      %sub3A_712 = arith.subi %add3A_494, %sub3A_711 : i32
      %add3A_713 = arith.constant 3 : i32
      %add3A_714 = arith.addi %sub3A_712, %add3A_713 : i32
      %mul3A_715 = arith.constant 200 : i32
      %mul3A_716 = arith.muli %add3A_714, %mul3A_715 : i32
      %add3A_717 = arith.addi %mul3A_2, %mul3A_716 : i32
      %dma_start3A_718 = arith.constant 3 : i32
      %dma_start3A_719 = arith.constant 3 : i32
      %dma_start3A_720 = arith.constant 0 : i32
      %dma_start3A_721 = arith.constant 0 : i32
      %dma_start3A_722 = tpu.memref_slice %arg10[%dma_start3A_718, %dma_start3A_720, %dma_start3A_721] : memref<4x200x128xf32, #tpu.memory_space<vmem>> -> memref<1x200x128xf32, #tpu.memory_space<vmem>>
      %dma_start3A_723 = tpu.memref_squeeze %dma_start3A_722 : memref<1x200x128xf32, #tpu.memory_space<vmem>> -> memref<200x128xf32, #tpu.memory_space<vmem>>
      %dma_start3A_724 = arith.constant 0 : i32
      %dma_start3A_725 = tpu.memref_slice %arg6[%add3A_717, %dma_start3A_724] : memref<204800x128xf32, #tpu.memory_space<hbm>> -> memref<200x128xf32, #tpu.memory_space<hbm>>
      %dma_start3A_726 = tpu.memref_slice %arg12[%dma_start3A_719] : memref<4x!tpu.dma_semaphore, #tpu.memory_space<semaphore_mem>> -> memref<1x!tpu.dma_semaphore, #tpu.memory_space<semaphore_mem>>
      %dma_start3A_727 = tpu.memref_squeeze %dma_start3A_726 : memref<1x!tpu.dma_semaphore, #tpu.memory_space<semaphore_mem>> -> memref<!tpu.dma_semaphore, #tpu.memory_space<semaphore_mem>>
      %dma_start3A_728 = arith.constant 0 : i32
      %dma_start3A_729 = tpu.memref_slice %arg6[%add3A_717, %dma_start3A_728] : memref<204800x128xf32, #tpu.memory_space<hbm>> -> memref<200x128xf32, #tpu.memory_space<hbm>>
      %dma_start3A_730 = arith.constant 0 : i32
      %dma_start3A_731 = arith.constant 0 : i32
      %dma_start3A_732 = tpu.memref_slice %arg10[%dma_start3A_718, %dma_start3A_730, %dma_start3A_731] : memref<4x200x128xf32, #tpu.memory_space<vmem>> -> memref<1x200x128xf32, #tpu.memory_space<vmem>>
      %dma_start3A_733 = tpu.memref_squeeze %dma_start3A_732 : memref<1x200x128xf32, #tpu.memory_space<vmem>> -> memref<200x128xf32, #tpu.memory_space<vmem>>
      tpu.enqueue_dma source(%dma_start3A_733 : memref<200x128xf32, #tpu.memory_space<vmem>>) target(%dma_start3A_729 : memref<200x128xf32, #tpu.memory_space<hbm>>) target_semaphore(%dma_start3A_727 : memref<!tpu.dma_semaphore, #tpu.memory_space<semaphore_mem>>)
      %dma_wait3A_734 = arith.constant 3 : i32
      %dma_wait3A_735 = arith.constant 3 : i32
      %dma_wait3A_736 = arith.constant 0 : i32
      %dma_wait3A_737 = arith.constant 0 : i32
      %dma_wait3A_738 = tpu.memref_slice %arg10[%dma_wait3A_734, %dma_wait3A_736, %dma_wait3A_737] : memref<4x200x128xf32, #tpu.memory_space<vmem>> -> memref<1x200x128xf32, #tpu.memory_space<vmem>>
      %dma_wait3A_739 = tpu.memref_squeeze %dma_wait3A_738 : memref<1x200x128xf32, #tpu.memory_space<vmem>> -> memref<200x128xf32, #tpu.memory_space<vmem>>
      %dma_wait3A_740 = arith.constant 0 : i32
      %dma_wait3A_741 = tpu.memref_slice %arg6[%mul3A_2, %dma_wait3A_740] : memref<204800x128xf32, #tpu.memory_space<hbm>> -> memref<200x128xf32, #tpu.memory_space<hbm>>
      %dma_wait3A_742 = tpu.memref_slice %arg12[%dma_wait3A_735] : memref<4x!tpu.dma_semaphore, #tpu.memory_space<semaphore_mem>> -> memref<1x!tpu.dma_semaphore, #tpu.memory_space<semaphore_mem>>
      %dma_wait3A_743 = tpu.memref_squeeze %dma_wait3A_742 : memref<1x!tpu.dma_semaphore, #tpu.memory_space<semaphore_mem>> -> memref<!tpu.dma_semaphore, #tpu.memory_space<semaphore_mem>>
      %dma_wait3A_744 = arith.constant 0 : i32
      %dma_wait3A_745 = tpu.memref_slice %arg6[%mul3A_2, %dma_wait3A_744] : memref<204800x128xf32, #tpu.memory_space<hbm>> -> memref<200x128xf32, #tpu.memory_space<hbm>>
      %dma_wait3A_746 = arith.constant 0 : i32
      %dma_wait3A_747 = arith.constant 0 : i32
      %dma_wait3A_748 = tpu.memref_slice %arg10[%dma_wait3A_734, %dma_wait3A_746, %dma_wait3A_747] : memref<4x200x128xf32, #tpu.memory_space<vmem>> -> memref<1x200x128xf32, #tpu.memory_space<vmem>>
      %dma_wait3A_749 = tpu.memref_squeeze %dma_wait3A_748 : memref<1x200x128xf32, #tpu.memory_space<vmem>> -> memref<200x128xf32, #tpu.memory_space<vmem>>
      tpu.wait_dma2 semaphore(%dma_wait3A_743 : memref<!tpu.dma_semaphore, #tpu.memory_space<semaphore_mem>>) src(%dma_wait3A_749 : memref<200x128xf32, #tpu.memory_space<vmem>>) dst(%dma_wait3A_745 : memref<200x128xf32, #tpu.memory_space<hbm>>)
      %add3A_750 = arith.constant 3 : i32
      %add3A_751 = arith.addi %add3A_494, %add3A_750 : i32
      %mul3A_752 = arith.constant 200 : i32
      %mul3A_753 = arith.muli %add3A_751, %mul3A_752 : i32
      %dma_start3A_754 = arith.constant 3 : i32
      %dma_start3A_755 = arith.constant 3 : i32
      %dma_start3A_756 = arith.constant 0 : i32
      %dma_start3A_757 = arith.constant 0 : i32
      %dma_start3A_758 = tpu.memref_slice %arg10[%dma_start3A_754, %dma_start3A_756, %dma_start3A_757] : memref<4x200x128xf32, #tpu.memory_space<vmem>> -> memref<1x200x128xf32, #tpu.memory_space<vmem>>
      %dma_start3A_759 = tpu.memref_squeeze %dma_start3A_758 : memref<1x200x128xf32, #tpu.memory_space<vmem>> -> memref<200x128xf32, #tpu.memory_space<vmem>>
      %dma_start3A_760 = tpu.memref_slice %arg8[%mul3A_753] : memref<6400xi32, #tpu.memory_space<vmem>> -> memref<200xi32, #tpu.memory_space<vmem>>
      %dma_start3A_761 = arith.constant 0 : i32
      %dma_start3A_762 = arith.constant 0 : i32
      %dma_start3A_763 = tpu.memref_slice %arg4[%dma_start3A_761, %dma_start3A_762] : memref<100000x128xf32, #tpu.memory_space<hbm>> -> memref<100000x128xf32, #tpu.memory_space<hbm>>
      %dma_start3A_764 = tpu.memref_slice %arg11[%dma_start3A_755] : memref<4x!tpu.dma_semaphore, #tpu.memory_space<semaphore_mem>> -> memref<1x!tpu.dma_semaphore, #tpu.memory_space<semaphore_mem>>
      %dma_start3A_765 = tpu.memref_squeeze %dma_start3A_764 : memref<1x!tpu.dma_semaphore, #tpu.memory_space<semaphore_mem>> -> memref<!tpu.dma_semaphore, #tpu.memory_space<semaphore_mem>>
      tpu.enqueue_indirect_dma source(%dma_start3A_763 : memref<100000x128xf32, #tpu.memory_space<hbm>>) target(%dma_start3A_759 : memref<200x128xf32, #tpu.memory_space<vmem>>) offsets(%dma_start3A_760 : memref<200xi32, #tpu.memory_space<vmem>>) semaphore(%dma_start3A_765 : memref<!tpu.dma_semaphore, #tpu.memory_space<semaphore_mem>>)
    }
    %scan3A_57 = arith.constant 7 : i32
    %dma_wait3A = arith.constant 0 : i32
    %dma_wait3A_58 = arith.constant 0 : i32
    %dma_wait3A_59 = arith.constant 0 : i32
    %dma_wait3A_60 = arith.constant 0 : i32
    %dma_wait3A_61 = tpu.memref_slice %arg10[%dma_wait3A, %dma_wait3A_59, %dma_wait3A_60] : memref<4x200x128xf32, #tpu.memory_space<vmem>> -> memref<1x200x128xf32, #tpu.memory_space<vmem>>
    %dma_wait3A_62 = tpu.memref_squeeze %dma_wait3A_61 : memref<1x200x128xf32, #tpu.memory_space<vmem>> -> memref<200x128xf32, #tpu.memory_space<vmem>>
    %dma_wait3A_63 = arith.constant 0 : i32
    %dma_wait3A_64 = tpu.memref_slice %arg8[%dma_wait3A_63] : memref<6400xi32, #tpu.memory_space<vmem>> -> memref<200xi32, #tpu.memory_space<vmem>>
    %dma_wait3A_65 = arith.constant 0 : i32
    %dma_wait3A_66 = arith.constant 0 : i32
    %dma_wait3A_67 = tpu.memref_slice %arg4[%dma_wait3A_65, %dma_wait3A_66] : memref<100000x128xf32, #tpu.memory_space<hbm>> -> memref<100000x128xf32, #tpu.memory_space<hbm>>
    %dma_wait3A_68 = tpu.memref_slice %arg11[%dma_wait3A_58] : memref<4x!tpu.dma_semaphore, #tpu.memory_space<semaphore_mem>> -> memref<1x!tpu.dma_semaphore, #tpu.memory_space<semaphore_mem>>
    %dma_wait3A_69 = tpu.memref_squeeze %dma_wait3A_68 : memref<1x!tpu.dma_semaphore, #tpu.memory_space<semaphore_mem>> -> memref<!tpu.dma_semaphore, #tpu.memory_space<semaphore_mem>>
    tpu.wait_indirect_dma semaphore(%dma_wait3A_69 : memref<!tpu.dma_semaphore, #tpu.memory_space<semaphore_mem>>) src(%dma_wait3A_67 : memref<100000x128xf32, #tpu.memory_space<hbm>>) dst(%dma_wait3A_62 : memref<200x128xf32, #tpu.memory_space<vmem>>)
    %add3A_70 = arith.constant 5600 : i32
    %add3A_71 = arith.addi %mul3A_2, %add3A_70 : i32
    %dma_start3A_72 = arith.constant 0 : i32
    %dma_start3A_73 = arith.constant 0 : i32
    %dma_start3A_74 = arith.constant 0 : i32
    %dma_start3A_75 = arith.constant 0 : i32
    %dma_start3A_76 = tpu.memref_slice %arg10[%dma_start3A_72, %dma_start3A_74, %dma_start3A_75] : memref<4x200x128xf32, #tpu.memory_space<vmem>> -> memref<1x200x128xf32, #tpu.memory_space<vmem>>
    %dma_start3A_77 = tpu.memref_squeeze %dma_start3A_76 : memref<1x200x128xf32, #tpu.memory_space<vmem>> -> memref<200x128xf32, #tpu.memory_space<vmem>>
    %dma_start3A_78 = arith.constant 0 : i32
    %dma_start3A_79 = tpu.memref_slice %arg6[%add3A_71, %dma_start3A_78] : memref<204800x128xf32, #tpu.memory_space<hbm>> -> memref<200x128xf32, #tpu.memory_space<hbm>>
    %dma_start3A_80 = tpu.memref_slice %arg12[%dma_start3A_73] : memref<4x!tpu.dma_semaphore, #tpu.memory_space<semaphore_mem>> -> memref<1x!tpu.dma_semaphore, #tpu.memory_space<semaphore_mem>>
    %dma_start3A_81 = tpu.memref_squeeze %dma_start3A_80 : memref<1x!tpu.dma_semaphore, #tpu.memory_space<semaphore_mem>> -> memref<!tpu.dma_semaphore, #tpu.memory_space<semaphore_mem>>
    %dma_start3A_82 = arith.constant 0 : i32
    %dma_start3A_83 = tpu.memref_slice %arg6[%add3A_71, %dma_start3A_82] : memref<204800x128xf32, #tpu.memory_space<hbm>> -> memref<200x128xf32, #tpu.memory_space<hbm>>
    %dma_start3A_84 = arith.constant 0 : i32
    %dma_start3A_85 = arith.constant 0 : i32
    %dma_start3A_86 = tpu.memref_slice %arg10[%dma_start3A_72, %dma_start3A_84, %dma_start3A_85] : memref<4x200x128xf32, #tpu.memory_space<vmem>> -> memref<1x200x128xf32, #tpu.memory_space<vmem>>
    %dma_start3A_87 = tpu.memref_squeeze %dma_start3A_86 : memref<1x200x128xf32, #tpu.memory_space<vmem>> -> memref<200x128xf32, #tpu.memory_space<vmem>>
    tpu.enqueue_dma source(%dma_start3A_87 : memref<200x128xf32, #tpu.memory_space<vmem>>) target(%dma_start3A_83 : memref<200x128xf32, #tpu.memory_space<hbm>>) target_semaphore(%dma_start3A_81 : memref<!tpu.dma_semaphore, #tpu.memory_space<semaphore_mem>>)
    %dma_wait3A_88 = arith.constant 0 : i32
    %dma_wait3A_89 = arith.constant 0 : i32
    %dma_wait3A_90 = arith.constant 0 : i32
    %dma_wait3A_91 = arith.constant 0 : i32
    %dma_wait3A_92 = tpu.memref_slice %arg10[%dma_wait3A_88, %dma_wait3A_90, %dma_wait3A_91] : memref<4x200x128xf32, #tpu.memory_space<vmem>> -> memref<1x200x128xf32, #tpu.memory_space<vmem>>
    %dma_wait3A_93 = tpu.memref_squeeze %dma_wait3A_92 : memref<1x200x128xf32, #tpu.memory_space<vmem>> -> memref<200x128xf32, #tpu.memory_space<vmem>>
    %dma_wait3A_94 = arith.constant 0 : i32
    %dma_wait3A_95 = tpu.memref_slice %arg6[%mul3A_2, %dma_wait3A_94] : memref<204800x128xf32, #tpu.memory_space<hbm>> -> memref<200x128xf32, #tpu.memory_space<hbm>>
    %dma_wait3A_96 = tpu.memref_slice %arg12[%dma_wait3A_89] : memref<4x!tpu.dma_semaphore, #tpu.memory_space<semaphore_mem>> -> memref<1x!tpu.dma_semaphore, #tpu.memory_space<semaphore_mem>>
    %dma_wait3A_97 = tpu.memref_squeeze %dma_wait3A_96 : memref<1x!tpu.dma_semaphore, #tpu.memory_space<semaphore_mem>> -> memref<!tpu.dma_semaphore, #tpu.memory_space<semaphore_mem>>
    %dma_wait3A_98 = arith.constant 0 : i32
    %dma_wait3A_99 = tpu.memref_slice %arg6[%mul3A_2, %dma_wait3A_98] : memref<204800x128xf32, #tpu.memory_space<hbm>> -> memref<200x128xf32, #tpu.memory_space<hbm>>
    %dma_wait3A_100 = arith.constant 0 : i32
    %dma_wait3A_101 = arith.constant 0 : i32
    %dma_wait3A_102 = tpu.memref_slice %arg10[%dma_wait3A_88, %dma_wait3A_100, %dma_wait3A_101] : memref<4x200x128xf32, #tpu.memory_space<vmem>> -> memref<1x200x128xf32, #tpu.memory_space<vmem>>
    %dma_wait3A_103 = tpu.memref_squeeze %dma_wait3A_102 : memref<1x200x128xf32, #tpu.memory_space<vmem>> -> memref<200x128xf32, #tpu.memory_space<vmem>>
    tpu.wait_dma2 semaphore(%dma_wait3A_97 : memref<!tpu.dma_semaphore, #tpu.memory_space<semaphore_mem>>) src(%dma_wait3A_103 : memref<200x128xf32, #tpu.memory_space<vmem>>) dst(%dma_wait3A_99 : memref<200x128xf32, #tpu.memory_space<hbm>>)
    %dma_wait3A_104 = arith.constant 1 : i32
    %dma_wait3A_105 = arith.constant 1 : i32
    %dma_wait3A_106 = arith.constant 0 : i32
    %dma_wait3A_107 = arith.constant 0 : i32
    %dma_wait3A_108 = tpu.memref_slice %arg10[%dma_wait3A_104, %dma_wait3A_106, %dma_wait3A_107] : memref<4x200x128xf32, #tpu.memory_space<vmem>> -> memref<1x200x128xf32, #tpu.memory_space<vmem>>
    %dma_wait3A_109 = tpu.memref_squeeze %dma_wait3A_108 : memref<1x200x128xf32, #tpu.memory_space<vmem>> -> memref<200x128xf32, #tpu.memory_space<vmem>>
    %dma_wait3A_110 = arith.constant 0 : i32
    %dma_wait3A_111 = tpu.memref_slice %arg8[%dma_wait3A_110] : memref<6400xi32, #tpu.memory_space<vmem>> -> memref<200xi32, #tpu.memory_space<vmem>>
    %dma_wait3A_112 = arith.constant 0 : i32
    %dma_wait3A_113 = arith.constant 0 : i32
    %dma_wait3A_114 = tpu.memref_slice %arg4[%dma_wait3A_112, %dma_wait3A_113] : memref<100000x128xf32, #tpu.memory_space<hbm>> -> memref<100000x128xf32, #tpu.memory_space<hbm>>
    %dma_wait3A_115 = tpu.memref_slice %arg11[%dma_wait3A_105] : memref<4x!tpu.dma_semaphore, #tpu.memory_space<semaphore_mem>> -> memref<1x!tpu.dma_semaphore, #tpu.memory_space<semaphore_mem>>
    %dma_wait3A_116 = tpu.memref_squeeze %dma_wait3A_115 : memref<1x!tpu.dma_semaphore, #tpu.memory_space<semaphore_mem>> -> memref<!tpu.dma_semaphore, #tpu.memory_space<semaphore_mem>>
    tpu.wait_indirect_dma semaphore(%dma_wait3A_116 : memref<!tpu.dma_semaphore, #tpu.memory_space<semaphore_mem>>) src(%dma_wait3A_114 : memref<100000x128xf32, #tpu.memory_space<hbm>>) dst(%dma_wait3A_109 : memref<200x128xf32, #tpu.memory_space<vmem>>)
    %add3A_117 = arith.constant 5800 : i32
    %add3A_118 = arith.addi %mul3A_2, %add3A_117 : i32
    %dma_start3A_119 = arith.constant 1 : i32
    %dma_start3A_120 = arith.constant 1 : i32
    %dma_start3A_121 = arith.constant 0 : i32
    %dma_start3A_122 = arith.constant 0 : i32
    %dma_start3A_123 = tpu.memref_slice %arg10[%dma_start3A_119, %dma_start3A_121, %dma_start3A_122] : memref<4x200x128xf32, #tpu.memory_space<vmem>> -> memref<1x200x128xf32, #tpu.memory_space<vmem>>
    %dma_start3A_124 = tpu.memref_squeeze %dma_start3A_123 : memref<1x200x128xf32, #tpu.memory_space<vmem>> -> memref<200x128xf32, #tpu.memory_space<vmem>>
    %dma_start3A_125 = arith.constant 0 : i32
    %dma_start3A_126 = tpu.memref_slice %arg6[%add3A_118, %dma_start3A_125] : memref<204800x128xf32, #tpu.memory_space<hbm>> -> memref<200x128xf32, #tpu.memory_space<hbm>>
    %dma_start3A_127 = tpu.memref_slice %arg12[%dma_start3A_120] : memref<4x!tpu.dma_semaphore, #tpu.memory_space<semaphore_mem>> -> memref<1x!tpu.dma_semaphore, #tpu.memory_space<semaphore_mem>>
    %dma_start3A_128 = tpu.memref_squeeze %dma_start3A_127 : memref<1x!tpu.dma_semaphore, #tpu.memory_space<semaphore_mem>> -> memref<!tpu.dma_semaphore, #tpu.memory_space<semaphore_mem>>
    %dma_start3A_129 = arith.constant 0 : i32
    %dma_start3A_130 = tpu.memref_slice %arg6[%add3A_118, %dma_start3A_129] : memref<204800x128xf32, #tpu.memory_space<hbm>> -> memref<200x128xf32, #tpu.memory_space<hbm>>
    %dma_start3A_131 = arith.constant 0 : i32
    %dma_start3A_132 = arith.constant 0 : i32
    %dma_start3A_133 = tpu.memref_slice %arg10[%dma_start3A_119, %dma_start3A_131, %dma_start3A_132] : memref<4x200x128xf32, #tpu.memory_space<vmem>> -> memref<1x200x128xf32, #tpu.memory_space<vmem>>
    %dma_start3A_134 = tpu.memref_squeeze %dma_start3A_133 : memref<1x200x128xf32, #tpu.memory_space<vmem>> -> memref<200x128xf32, #tpu.memory_space<vmem>>
    tpu.enqueue_dma source(%dma_start3A_134 : memref<200x128xf32, #tpu.memory_space<vmem>>) target(%dma_start3A_130 : memref<200x128xf32, #tpu.memory_space<hbm>>) target_semaphore(%dma_start3A_128 : memref<!tpu.dma_semaphore, #tpu.memory_space<semaphore_mem>>)
    %dma_wait3A_135 = arith.constant 1 : i32
    %dma_wait3A_136 = arith.constant 1 : i32
    %dma_wait3A_137 = arith.constant 0 : i32
    %dma_wait3A_138 = arith.constant 0 : i32
    %dma_wait3A_139 = tpu.memref_slice %arg10[%dma_wait3A_135, %dma_wait3A_137, %dma_wait3A_138] : memref<4x200x128xf32, #tpu.memory_space<vmem>> -> memref<1x200x128xf32, #tpu.memory_space<vmem>>
    %dma_wait3A_140 = tpu.memref_squeeze %dma_wait3A_139 : memref<1x200x128xf32, #tpu.memory_space<vmem>> -> memref<200x128xf32, #tpu.memory_space<vmem>>
    %dma_wait3A_141 = arith.constant 0 : i32
    %dma_wait3A_142 = tpu.memref_slice %arg6[%mul3A_2, %dma_wait3A_141] : memref<204800x128xf32, #tpu.memory_space<hbm>> -> memref<200x128xf32, #tpu.memory_space<hbm>>
    %dma_wait3A_143 = tpu.memref_slice %arg12[%dma_wait3A_136] : memref<4x!tpu.dma_semaphore, #tpu.memory_space<semaphore_mem>> -> memref<1x!tpu.dma_semaphore, #tpu.memory_space<semaphore_mem>>
    %dma_wait3A_144 = tpu.memref_squeeze %dma_wait3A_143 : memref<1x!tpu.dma_semaphore, #tpu.memory_space<semaphore_mem>> -> memref<!tpu.dma_semaphore, #tpu.memory_space<semaphore_mem>>
    %dma_wait3A_145 = arith.constant 0 : i32
    %dma_wait3A_146 = tpu.memref_slice %arg6[%mul3A_2, %dma_wait3A_145] : memref<204800x128xf32, #tpu.memory_space<hbm>> -> memref<200x128xf32, #tpu.memory_space<hbm>>
    %dma_wait3A_147 = arith.constant 0 : i32
    %dma_wait3A_148 = arith.constant 0 : i32
    %dma_wait3A_149 = tpu.memref_slice %arg10[%dma_wait3A_135, %dma_wait3A_147, %dma_wait3A_148] : memref<4x200x128xf32, #tpu.memory_space<vmem>> -> memref<1x200x128xf32, #tpu.memory_space<vmem>>
    %dma_wait3A_150 = tpu.memref_squeeze %dma_wait3A_149 : memref<1x200x128xf32, #tpu.memory_space<vmem>> -> memref<200x128xf32, #tpu.memory_space<vmem>>
    tpu.wait_dma2 semaphore(%dma_wait3A_144 : memref<!tpu.dma_semaphore, #tpu.memory_space<semaphore_mem>>) src(%dma_wait3A_150 : memref<200x128xf32, #tpu.memory_space<vmem>>) dst(%dma_wait3A_146 : memref<200x128xf32, #tpu.memory_space<hbm>>)
    %dma_wait3A_151 = arith.constant 2 : i32
    %dma_wait3A_152 = arith.constant 2 : i32
    %dma_wait3A_153 = arith.constant 0 : i32
    %dma_wait3A_154 = arith.constant 0 : i32
    %dma_wait3A_155 = tpu.memref_slice %arg10[%dma_wait3A_151, %dma_wait3A_153, %dma_wait3A_154] : memref<4x200x128xf32, #tpu.memory_space<vmem>> -> memref<1x200x128xf32, #tpu.memory_space<vmem>>
    %dma_wait3A_156 = tpu.memref_squeeze %dma_wait3A_155 : memref<1x200x128xf32, #tpu.memory_space<vmem>> -> memref<200x128xf32, #tpu.memory_space<vmem>>
    %dma_wait3A_157 = arith.constant 0 : i32
    %dma_wait3A_158 = tpu.memref_slice %arg8[%dma_wait3A_157] : memref<6400xi32, #tpu.memory_space<vmem>> -> memref<200xi32, #tpu.memory_space<vmem>>
    %dma_wait3A_159 = arith.constant 0 : i32
    %dma_wait3A_160 = arith.constant 0 : i32
    %dma_wait3A_161 = tpu.memref_slice %arg4[%dma_wait3A_159, %dma_wait3A_160] : memref<100000x128xf32, #tpu.memory_space<hbm>> -> memref<100000x128xf32, #tpu.memory_space<hbm>>
    %dma_wait3A_162 = tpu.memref_slice %arg11[%dma_wait3A_152] : memref<4x!tpu.dma_semaphore, #tpu.memory_space<semaphore_mem>> -> memref<1x!tpu.dma_semaphore, #tpu.memory_space<semaphore_mem>>
    %dma_wait3A_163 = tpu.memref_squeeze %dma_wait3A_162 : memref<1x!tpu.dma_semaphore, #tpu.memory_space<semaphore_mem>> -> memref<!tpu.dma_semaphore, #tpu.memory_space<semaphore_mem>>
    tpu.wait_indirect_dma semaphore(%dma_wait3A_163 : memref<!tpu.dma_semaphore, #tpu.memory_space<semaphore_mem>>) src(%dma_wait3A_161 : memref<100000x128xf32, #tpu.memory_space<hbm>>) dst(%dma_wait3A_156 : memref<200x128xf32, #tpu.memory_space<vmem>>)
    %add3A_164 = arith.constant 6000 : i32
    %add3A_165 = arith.addi %mul3A_2, %add3A_164 : i32
    %dma_start3A_166 = arith.constant 2 : i32
    %dma_start3A_167 = arith.constant 2 : i32
    %dma_start3A_168 = arith.constant 0 : i32
    %dma_start3A_169 = arith.constant 0 : i32
    %dma_start3A_170 = tpu.memref_slice %arg10[%dma_start3A_166, %dma_start3A_168, %dma_start3A_169] : memref<4x200x128xf32, #tpu.memory_space<vmem>> -> memref<1x200x128xf32, #tpu.memory_space<vmem>>
    %dma_start3A_171 = tpu.memref_squeeze %dma_start3A_170 : memref<1x200x128xf32, #tpu.memory_space<vmem>> -> memref<200x128xf32, #tpu.memory_space<vmem>>
    %dma_start3A_172 = arith.constant 0 : i32
    %dma_start3A_173 = tpu.memref_slice %arg6[%add3A_165, %dma_start3A_172] : memref<204800x128xf32, #tpu.memory_space<hbm>> -> memref<200x128xf32, #tpu.memory_space<hbm>>
    %dma_start3A_174 = tpu.memref_slice %arg12[%dma_start3A_167] : memref<4x!tpu.dma_semaphore, #tpu.memory_space<semaphore_mem>> -> memref<1x!tpu.dma_semaphore, #tpu.memory_space<semaphore_mem>>
    %dma_start3A_175 = tpu.memref_squeeze %dma_start3A_174 : memref<1x!tpu.dma_semaphore, #tpu.memory_space<semaphore_mem>> -> memref<!tpu.dma_semaphore, #tpu.memory_space<semaphore_mem>>
    %dma_start3A_176 = arith.constant 0 : i32
    %dma_start3A_177 = tpu.memref_slice %arg6[%add3A_165, %dma_start3A_176] : memref<204800x128xf32, #tpu.memory_space<hbm>> -> memref<200x128xf32, #tpu.memory_space<hbm>>
    %dma_start3A_178 = arith.constant 0 : i32
    %dma_start3A_179 = arith.constant 0 : i32
    %dma_start3A_180 = tpu.memref_slice %arg10[%dma_start3A_166, %dma_start3A_178, %dma_start3A_179] : memref<4x200x128xf32, #tpu.memory_space<vmem>> -> memref<1x200x128xf32, #tpu.memory_space<vmem>>
    %dma_start3A_181 = tpu.memref_squeeze %dma_start3A_180 : memref<1x200x128xf32, #tpu.memory_space<vmem>> -> memref<200x128xf32, #tpu.memory_space<vmem>>
    tpu.enqueue_dma source(%dma_start3A_181 : memref<200x128xf32, #tpu.memory_space<vmem>>) target(%dma_start3A_177 : memref<200x128xf32, #tpu.memory_space<hbm>>) target_semaphore(%dma_start3A_175 : memref<!tpu.dma_semaphore, #tpu.memory_space<semaphore_mem>>)
    %dma_wait3A_182 = arith.constant 2 : i32
    %dma_wait3A_183 = arith.constant 2 : i32
    %dma_wait3A_184 = arith.constant 0 : i32
    %dma_wait3A_185 = arith.constant 0 : i32
    %dma_wait3A_186 = tpu.memref_slice %arg10[%dma_wait3A_182, %dma_wait3A_184, %dma_wait3A_185] : memref<4x200x128xf32, #tpu.memory_space<vmem>> -> memref<1x200x128xf32, #tpu.memory_space<vmem>>
    %dma_wait3A_187 = tpu.memref_squeeze %dma_wait3A_186 : memref<1x200x128xf32, #tpu.memory_space<vmem>> -> memref<200x128xf32, #tpu.memory_space<vmem>>
    %dma_wait3A_188 = arith.constant 0 : i32
    %dma_wait3A_189 = tpu.memref_slice %arg6[%mul3A_2, %dma_wait3A_188] : memref<204800x128xf32, #tpu.memory_space<hbm>> -> memref<200x128xf32, #tpu.memory_space<hbm>>
    %dma_wait3A_190 = tpu.memref_slice %arg12[%dma_wait3A_183] : memref<4x!tpu.dma_semaphore, #tpu.memory_space<semaphore_mem>> -> memref<1x!tpu.dma_semaphore, #tpu.memory_space<semaphore_mem>>
    %dma_wait3A_191 = tpu.memref_squeeze %dma_wait3A_190 : memref<1x!tpu.dma_semaphore, #tpu.memory_space<semaphore_mem>> -> memref<!tpu.dma_semaphore, #tpu.memory_space<semaphore_mem>>
    %dma_wait3A_192 = arith.constant 0 : i32
    %dma_wait3A_193 = tpu.memref_slice %arg6[%mul3A_2, %dma_wait3A_192] : memref<204800x128xf32, #tpu.memory_space<hbm>> -> memref<200x128xf32, #tpu.memory_space<hbm>>
    %dma_wait3A_194 = arith.constant 0 : i32
    %dma_wait3A_195 = arith.constant 0 : i32
    %dma_wait3A_196 = tpu.memref_slice %arg10[%dma_wait3A_182, %dma_wait3A_194, %dma_wait3A_195] : memref<4x200x128xf32, #tpu.memory_space<vmem>> -> memref<1x200x128xf32, #tpu.memory_space<vmem>>
    %dma_wait3A_197 = tpu.memref_squeeze %dma_wait3A_196 : memref<1x200x128xf32, #tpu.memory_space<vmem>> -> memref<200x128xf32, #tpu.memory_space<vmem>>
    tpu.wait_dma2 semaphore(%dma_wait3A_191 : memref<!tpu.dma_semaphore, #tpu.memory_space<semaphore_mem>>) src(%dma_wait3A_197 : memref<200x128xf32, #tpu.memory_space<vmem>>) dst(%dma_wait3A_193 : memref<200x128xf32, #tpu.memory_space<hbm>>)
    %dma_wait3A_198 = arith.constant 3 : i32
    %dma_wait3A_199 = arith.constant 3 : i32
    %dma_wait3A_200 = arith.constant 0 : i32
    %dma_wait3A_201 = arith.constant 0 : i32
    %dma_wait3A_202 = tpu.memref_slice %arg10[%dma_wait3A_198, %dma_wait3A_200, %dma_wait3A_201] : memref<4x200x128xf32, #tpu.memory_space<vmem>> -> memref<1x200x128xf32, #tpu.memory_space<vmem>>
    %dma_wait3A_203 = tpu.memref_squeeze %dma_wait3A_202 : memref<1x200x128xf32, #tpu.memory_space<vmem>> -> memref<200x128xf32, #tpu.memory_space<vmem>>
    %dma_wait3A_204 = arith.constant 0 : i32
    %dma_wait3A_205 = tpu.memref_slice %arg8[%dma_wait3A_204] : memref<6400xi32, #tpu.memory_space<vmem>> -> memref<200xi32, #tpu.memory_space<vmem>>
    %dma_wait3A_206 = arith.constant 0 : i32
    %dma_wait3A_207 = arith.constant 0 : i32
    %dma_wait3A_208 = tpu.memref_slice %arg4[%dma_wait3A_206, %dma_wait3A_207] : memref<100000x128xf32, #tpu.memory_space<hbm>> -> memref<100000x128xf32, #tpu.memory_space<hbm>>
    %dma_wait3A_209 = tpu.memref_slice %arg11[%dma_wait3A_199] : memref<4x!tpu.dma_semaphore, #tpu.memory_space<semaphore_mem>> -> memref<1x!tpu.dma_semaphore, #tpu.memory_space<semaphore_mem>>
    %dma_wait3A_210 = tpu.memref_squeeze %dma_wait3A_209 : memref<1x!tpu.dma_semaphore, #tpu.memory_space<semaphore_mem>> -> memref<!tpu.dma_semaphore, #tpu.memory_space<semaphore_mem>>
    tpu.wait_indirect_dma semaphore(%dma_wait3A_210 : memref<!tpu.dma_semaphore, #tpu.memory_space<semaphore_mem>>) src(%dma_wait3A_208 : memref<100000x128xf32, #tpu.memory_space<hbm>>) dst(%dma_wait3A_203 : memref<200x128xf32, #tpu.memory_space<vmem>>)
    %add3A_211 = arith.constant 6200 : i32
    %add3A_212 = arith.addi %mul3A_2, %add3A_211 : i32
    %dma_start3A_213 = arith.constant 3 : i32
    %dma_start3A_214 = arith.constant 3 : i32
    %dma_start3A_215 = arith.constant 0 : i32
    %dma_start3A_216 = arith.constant 0 : i32
    %dma_start3A_217 = tpu.memref_slice %arg10[%dma_start3A_213, %dma_start3A_215, %dma_start3A_216] : memref<4x200x128xf32, #tpu.memory_space<vmem>> -> memref<1x200x128xf32, #tpu.memory_space<vmem>>
    %dma_start3A_218 = tpu.memref_squeeze %dma_start3A_217 : memref<1x200x128xf32, #tpu.memory_space<vmem>> -> memref<200x128xf32, #tpu.memory_space<vmem>>
    %dma_start3A_219 = arith.constant 0 : i32
    %dma_start3A_220 = tpu.memref_slice %arg6[%add3A_212, %dma_start3A_219] : memref<204800x128xf32, #tpu.memory_space<hbm>> -> memref<200x128xf32, #tpu.memory_space<hbm>>
    %dma_start3A_221 = tpu.memref_slice %arg12[%dma_start3A_214] : memref<4x!tpu.dma_semaphore, #tpu.memory_space<semaphore_mem>> -> memref<1x!tpu.dma_semaphore, #tpu.memory_space<semaphore_mem>>
    %dma_start3A_222 = tpu.memref_squeeze %dma_start3A_221 : memref<1x!tpu.dma_semaphore, #tpu.memory_space<semaphore_mem>> -> memref<!tpu.dma_semaphore, #tpu.memory_space<semaphore_mem>>
    %dma_start3A_223 = arith.constant 0 : i32
    %dma_start3A_224 = tpu.memref_slice %arg6[%add3A_212, %dma_start3A_223] : memref<204800x128xf32, #tpu.memory_space<hbm>> -> memref<200x128xf32, #tpu.memory_space<hbm>>
    %dma_start3A_225 = arith.constant 0 : i32
    %dma_start3A_226 = arith.constant 0 : i32
    %dma_start3A_227 = tpu.memref_slice %arg10[%dma_start3A_213, %dma_start3A_225, %dma_start3A_226] : memref<4x200x128xf32, #tpu.memory_space<vmem>> -> memref<1x200x128xf32, #tpu.memory_space<vmem>>
    %dma_start3A_228 = tpu.memref_squeeze %dma_start3A_227 : memref<1x200x128xf32, #tpu.memory_space<vmem>> -> memref<200x128xf32, #tpu.memory_space<vmem>>
    tpu.enqueue_dma source(%dma_start3A_228 : memref<200x128xf32, #tpu.memory_space<vmem>>) target(%dma_start3A_224 : memref<200x128xf32, #tpu.memory_space<hbm>>) target_semaphore(%dma_start3A_222 : memref<!tpu.dma_semaphore, #tpu.memory_space<semaphore_mem>>)
    %dma_wait3A_229 = arith.constant 3 : i32
    %dma_wait3A_230 = arith.constant 3 : i32
    %dma_wait3A_231 = arith.constant 0 : i32
    %dma_wait3A_232 = arith.constant 0 : i32
    %dma_wait3A_233 = tpu.memref_slice %arg10[%dma_wait3A_229, %dma_wait3A_231, %dma_wait3A_232] : memref<4x200x128xf32, #tpu.memory_space<vmem>> -> memref<1x200x128xf32, #tpu.memory_space<vmem>>
    %dma_wait3A_234 = tpu.memref_squeeze %dma_wait3A_233 : memref<1x200x128xf32, #tpu.memory_space<vmem>> -> memref<200x128xf32, #tpu.memory_space<vmem>>
    %dma_wait3A_235 = arith.constant 0 : i32
    %dma_wait3A_236 = tpu.memref_slice %arg6[%mul3A_2, %dma_wait3A_235] : memref<204800x128xf32, #tpu.memory_space<hbm>> -> memref<200x128xf32, #tpu.memory_space<hbm>>
    %dma_wait3A_237 = tpu.memref_slice %arg12[%dma_wait3A_230] : memref<4x!tpu.dma_semaphore, #tpu.memory_space<semaphore_mem>> -> memref<1x!tpu.dma_semaphore, #tpu.memory_space<semaphore_mem>>
    %dma_wait3A_238 = tpu.memref_squeeze %dma_wait3A_237 : memref<1x!tpu.dma_semaphore, #tpu.memory_space<semaphore_mem>> -> memref<!tpu.dma_semaphore, #tpu.memory_space<semaphore_mem>>
    %dma_wait3A_239 = arith.constant 0 : i32
    %dma_wait3A_240 = tpu.memref_slice %arg6[%mul3A_2, %dma_wait3A_239] : memref<204800x128xf32, #tpu.memory_space<hbm>> -> memref<200x128xf32, #tpu.memory_space<hbm>>
    %dma_wait3A_241 = arith.constant 0 : i32
    %dma_wait3A_242 = arith.constant 0 : i32
    %dma_wait3A_243 = tpu.memref_slice %arg10[%dma_wait3A_229, %dma_wait3A_241, %dma_wait3A_242] : memref<4x200x128xf32, #tpu.memory_space<vmem>> -> memref<1x200x128xf32, #tpu.memory_space<vmem>>
    %dma_wait3A_244 = tpu.memref_squeeze %dma_wait3A_243 : memref<1x200x128xf32, #tpu.memory_space<vmem>> -> memref<200x128xf32, #tpu.memory_space<vmem>>
    tpu.wait_dma2 semaphore(%dma_wait3A_238 : memref<!tpu.dma_semaphore, #tpu.memory_space<semaphore_mem>>) src(%dma_wait3A_244 : memref<200x128xf32, #tpu.memory_space<vmem>>) dst(%dma_wait3A_240 : memref<200x128xf32, #tpu.memory_space<hbm>>)
    %dma_start3A_245 = arith.constant 0 : i32
    %dma_start3A_246 = arith.constant 0 : i32
    %dma_start3A_247 = arith.constant 0 : i32
    %dma_start3A_248 = arith.constant 0 : i32
    %dma_start3A_249 = tpu.memref_slice %arg10[%dma_start3A_245, %dma_start3A_247, %dma_start3A_248] : memref<4x200x128xf32, #tpu.memory_space<vmem>> -> memref<1x200x128xf32, #tpu.memory_space<vmem>>
    %dma_start3A_250 = tpu.memref_squeeze %dma_start3A_249 : memref<1x200x128xf32, #tpu.memory_space<vmem>> -> memref<200x128xf32, #tpu.memory_space<vmem>>
    %dma_start3A_251 = arith.constant 0 : i32
    %dma_start3A_252 = tpu.memref_slice %arg9[%dma_start3A_251] : memref<6400xi32, #tpu.memory_space<vmem>> -> memref<200xi32, #tpu.memory_space<vmem>>
    %dma_start3A_253 = arith.constant 0 : i32
    %dma_start3A_254 = arith.constant 0 : i32
    %dma_start3A_255 = tpu.memref_slice %arg5[%dma_start3A_253, %dma_start3A_254] : memref<100000x128xf32, #tpu.memory_space<hbm>> -> memref<100000x128xf32, #tpu.memory_space<hbm>>
    %dma_start3A_256 = tpu.memref_slice %arg11[%dma_start3A_246] : memref<4x!tpu.dma_semaphore, #tpu.memory_space<semaphore_mem>> -> memref<1x!tpu.dma_semaphore, #tpu.memory_space<semaphore_mem>>
    %dma_start3A_257 = tpu.memref_squeeze %dma_start3A_256 : memref<1x!tpu.dma_semaphore, #tpu.memory_space<semaphore_mem>> -> memref<!tpu.dma_semaphore, #tpu.memory_space<semaphore_mem>>
    tpu.enqueue_indirect_dma source(%dma_start3A_255 : memref<100000x128xf32, #tpu.memory_space<hbm>>) target(%dma_start3A_250 : memref<200x128xf32, #tpu.memory_space<vmem>>) offsets(%dma_start3A_252 : memref<200xi32, #tpu.memory_space<vmem>>) semaphore(%dma_start3A_257 : memref<!tpu.dma_semaphore, #tpu.memory_space<semaphore_mem>>)
    %dma_start3A_258 = arith.constant 1 : i32
    %dma_start3A_259 = arith.constant 1 : i32
    %dma_start3A_260 = arith.constant 0 : i32
    %dma_start3A_261 = arith.constant 0 : i32
    %dma_start3A_262 = tpu.memref_slice %arg10[%dma_start3A_258, %dma_start3A_260, %dma_start3A_261] : memref<4x200x128xf32, #tpu.memory_space<vmem>> -> memref<1x200x128xf32, #tpu.memory_space<vmem>>
    %dma_start3A_263 = tpu.memref_squeeze %dma_start3A_262 : memref<1x200x128xf32, #tpu.memory_space<vmem>> -> memref<200x128xf32, #tpu.memory_space<vmem>>
    %dma_start3A_264 = arith.constant 200 : i32
    %dma_start3A_265 = tpu.memref_slice %arg9[%dma_start3A_264] : memref<6400xi32, #tpu.memory_space<vmem>> -> memref<200xi32, #tpu.memory_space<vmem>>
    %dma_start3A_266 = arith.constant 0 : i32
    %dma_start3A_267 = arith.constant 0 : i32
    %dma_start3A_268 = tpu.memref_slice %arg5[%dma_start3A_266, %dma_start3A_267] : memref<100000x128xf32, #tpu.memory_space<hbm>> -> memref<100000x128xf32, #tpu.memory_space<hbm>>
    %dma_start3A_269 = tpu.memref_slice %arg11[%dma_start3A_259] : memref<4x!tpu.dma_semaphore, #tpu.memory_space<semaphore_mem>> -> memref<1x!tpu.dma_semaphore, #tpu.memory_space<semaphore_mem>>
    %dma_start3A_270 = tpu.memref_squeeze %dma_start3A_269 : memref<1x!tpu.dma_semaphore, #tpu.memory_space<semaphore_mem>> -> memref<!tpu.dma_semaphore, #tpu.memory_space<semaphore_mem>>
    tpu.enqueue_indirect_dma source(%dma_start3A_268 : memref<100000x128xf32, #tpu.memory_space<hbm>>) target(%dma_start3A_263 : memref<200x128xf32, #tpu.memory_space<vmem>>) offsets(%dma_start3A_265 : memref<200xi32, #tpu.memory_space<vmem>>) semaphore(%dma_start3A_270 : memref<!tpu.dma_semaphore, #tpu.memory_space<semaphore_mem>>)
    %dma_start3A_271 = arith.constant 2 : i32
    %dma_start3A_272 = arith.constant 2 : i32
    %dma_start3A_273 = arith.constant 0 : i32
    %dma_start3A_274 = arith.constant 0 : i32
    %dma_start3A_275 = tpu.memref_slice %arg10[%dma_start3A_271, %dma_start3A_273, %dma_start3A_274] : memref<4x200x128xf32, #tpu.memory_space<vmem>> -> memref<1x200x128xf32, #tpu.memory_space<vmem>>
    %dma_start3A_276 = tpu.memref_squeeze %dma_start3A_275 : memref<1x200x128xf32, #tpu.memory_space<vmem>> -> memref<200x128xf32, #tpu.memory_space<vmem>>
    %dma_start3A_277 = arith.constant 400 : i32
    %dma_start3A_278 = tpu.memref_slice %arg9[%dma_start3A_277] : memref<6400xi32, #tpu.memory_space<vmem>> -> memref<200xi32, #tpu.memory_space<vmem>>
    %dma_start3A_279 = arith.constant 0 : i32
    %dma_start3A_280 = arith.constant 0 : i32
    %dma_start3A_281 = tpu.memref_slice %arg5[%dma_start3A_279, %dma_start3A_280] : memref<100000x128xf32, #tpu.memory_space<hbm>> -> memref<100000x128xf32, #tpu.memory_space<hbm>>
    %dma_start3A_282 = tpu.memref_slice %arg11[%dma_start3A_272] : memref<4x!tpu.dma_semaphore, #tpu.memory_space<semaphore_mem>> -> memref<1x!tpu.dma_semaphore, #tpu.memory_space<semaphore_mem>>
    %dma_start3A_283 = tpu.memref_squeeze %dma_start3A_282 : memref<1x!tpu.dma_semaphore, #tpu.memory_space<semaphore_mem>> -> memref<!tpu.dma_semaphore, #tpu.memory_space<semaphore_mem>>
    tpu.enqueue_indirect_dma source(%dma_start3A_281 : memref<100000x128xf32, #tpu.memory_space<hbm>>) target(%dma_start3A_276 : memref<200x128xf32, #tpu.memory_space<vmem>>) offsets(%dma_start3A_278 : memref<200xi32, #tpu.memory_space<vmem>>) semaphore(%dma_start3A_283 : memref<!tpu.dma_semaphore, #tpu.memory_space<semaphore_mem>>)
    %dma_start3A_284 = arith.constant 3 : i32
    %dma_start3A_285 = arith.constant 3 : i32
    %dma_start3A_286 = arith.constant 0 : i32
    %dma_start3A_287 = arith.constant 0 : i32
    %dma_start3A_288 = tpu.memref_slice %arg10[%dma_start3A_284, %dma_start3A_286, %dma_start3A_287] : memref<4x200x128xf32, #tpu.memory_space<vmem>> -> memref<1x200x128xf32, #tpu.memory_space<vmem>>
    %dma_start3A_289 = tpu.memref_squeeze %dma_start3A_288 : memref<1x200x128xf32, #tpu.memory_space<vmem>> -> memref<200x128xf32, #tpu.memory_space<vmem>>
    %dma_start3A_290 = arith.constant 600 : i32
    %dma_start3A_291 = tpu.memref_slice %arg9[%dma_start3A_290] : memref<6400xi32, #tpu.memory_space<vmem>> -> memref<200xi32, #tpu.memory_space<vmem>>
    %dma_start3A_292 = arith.constant 0 : i32
    %dma_start3A_293 = arith.constant 0 : i32
    %dma_start3A_294 = tpu.memref_slice %arg5[%dma_start3A_292, %dma_start3A_293] : memref<100000x128xf32, #tpu.memory_space<hbm>> -> memref<100000x128xf32, #tpu.memory_space<hbm>>
    %dma_start3A_295 = tpu.memref_slice %arg11[%dma_start3A_285] : memref<4x!tpu.dma_semaphore, #tpu.memory_space<semaphore_mem>> -> memref<1x!tpu.dma_semaphore, #tpu.memory_space<semaphore_mem>>
    %dma_start3A_296 = tpu.memref_squeeze %dma_start3A_295 : memref<1x!tpu.dma_semaphore, #tpu.memory_space<semaphore_mem>> -> memref<!tpu.dma_semaphore, #tpu.memory_space<semaphore_mem>>
    tpu.enqueue_indirect_dma source(%dma_start3A_294 : memref<100000x128xf32, #tpu.memory_space<hbm>>) target(%dma_start3A_289 : memref<200x128xf32, #tpu.memory_space<vmem>>) offsets(%dma_start3A_291 : memref<200xi32, #tpu.memory_space<vmem>>) semaphore(%dma_start3A_296 : memref<!tpu.dma_semaphore, #tpu.memory_space<semaphore_mem>>)
    %scan3A_297 = arith.constant 0 : i32
    %scan3A_298 = arith.constant 7 : i32
    %scan3A_299 = arith.addi %scan3A_297, %scan3A_298 : i32
    %scan3A_300 = arith.constant 1 : i32
    scf.for %scan3A_490 = %scan3A_297 to %scan3A_299 step %scan3A_300  : i32 {
      %mul3A_491 = arith.constant 4 : i32
      %mul3A_492 = arith.muli %scan3A_490, %mul3A_491 : i32
      %add3A_493 = arith.constant 4 : i32
      %add3A_494 = arith.addi %add3A_493, %mul3A_492 : i32
      %dma_wait3A_495 = arith.constant 0 : i32
      %dma_wait3A_496 = arith.constant 0 : i32
      %dma_wait3A_497 = arith.constant 0 : i32
      %dma_wait3A_498 = arith.constant 0 : i32
      %dma_wait3A_499 = tpu.memref_slice %arg10[%dma_wait3A_495, %dma_wait3A_497, %dma_wait3A_498] : memref<4x200x128xf32, #tpu.memory_space<vmem>> -> memref<1x200x128xf32, #tpu.memory_space<vmem>>
      %dma_wait3A_500 = tpu.memref_squeeze %dma_wait3A_499 : memref<1x200x128xf32, #tpu.memory_space<vmem>> -> memref<200x128xf32, #tpu.memory_space<vmem>>
      %dma_wait3A_501 = arith.constant 0 : i32
      %dma_wait3A_502 = tpu.memref_slice %arg9[%dma_wait3A_501] : memref<6400xi32, #tpu.memory_space<vmem>> -> memref<200xi32, #tpu.memory_space<vmem>>
      %dma_wait3A_503 = arith.constant 0 : i32
      %dma_wait3A_504 = arith.constant 0 : i32
      %dma_wait3A_505 = tpu.memref_slice %arg5[%dma_wait3A_503, %dma_wait3A_504] : memref<100000x128xf32, #tpu.memory_space<hbm>> -> memref<100000x128xf32, #tpu.memory_space<hbm>>
      %dma_wait3A_506 = tpu.memref_slice %arg11[%dma_wait3A_496] : memref<4x!tpu.dma_semaphore, #tpu.memory_space<semaphore_mem>> -> memref<1x!tpu.dma_semaphore, #tpu.memory_space<semaphore_mem>>
      %dma_wait3A_507 = tpu.memref_squeeze %dma_wait3A_506 : memref<1x!tpu.dma_semaphore, #tpu.memory_space<semaphore_mem>> -> memref<!tpu.dma_semaphore, #tpu.memory_space<semaphore_mem>>
      tpu.wait_indirect_dma semaphore(%dma_wait3A_507 : memref<!tpu.dma_semaphore, #tpu.memory_space<semaphore_mem>>) src(%dma_wait3A_505 : memref<100000x128xf32, #tpu.memory_space<hbm>>) dst(%dma_wait3A_500 : memref<200x128xf32, #tpu.memory_space<vmem>>)
      %sub3A = arith.constant 4 : i32
      %sub3A_508 = arith.subi %add3A_494, %sub3A : i32
      %add3A_509 = arith.constant 0 : i32
      %add3A_510 = arith.addi %sub3A_508, %add3A_509 : i32
      %mul3A_511 = arith.constant 200 : i32
      %mul3A_512 = arith.muli %add3A_510, %mul3A_511 : i32
      %add3A_513 = arith.addi %mul3A_2, %mul3A_512 : i32
      %dma_start3A_514 = arith.constant 0 : i32
      %dma_start3A_515 = arith.constant 0 : i32
      %dma_start3A_516 = arith.constant 0 : i32
      %dma_start3A_517 = arith.constant 0 : i32
      %dma_start3A_518 = tpu.memref_slice %arg10[%dma_start3A_514, %dma_start3A_516, %dma_start3A_517] : memref<4x200x128xf32, #tpu.memory_space<vmem>> -> memref<1x200x128xf32, #tpu.memory_space<vmem>>
      %dma_start3A_519 = tpu.memref_squeeze %dma_start3A_518 : memref<1x200x128xf32, #tpu.memory_space<vmem>> -> memref<200x128xf32, #tpu.memory_space<vmem>>
      %dma_start3A_520 = arith.constant 0 : i32
      %dma_start3A_521 = tpu.memref_slice %arg7[%add3A_513, %dma_start3A_520] : memref<204800x128xf32, #tpu.memory_space<hbm>> -> memref<200x128xf32, #tpu.memory_space<hbm>>
      %dma_start3A_522 = tpu.memref_slice %arg12[%dma_start3A_515] : memref<4x!tpu.dma_semaphore, #tpu.memory_space<semaphore_mem>> -> memref<1x!tpu.dma_semaphore, #tpu.memory_space<semaphore_mem>>
      %dma_start3A_523 = tpu.memref_squeeze %dma_start3A_522 : memref<1x!tpu.dma_semaphore, #tpu.memory_space<semaphore_mem>> -> memref<!tpu.dma_semaphore, #tpu.memory_space<semaphore_mem>>
      %dma_start3A_524 = arith.constant 0 : i32
      %dma_start3A_525 = tpu.memref_slice %arg7[%add3A_513, %dma_start3A_524] : memref<204800x128xf32, #tpu.memory_space<hbm>> -> memref<200x128xf32, #tpu.memory_space<hbm>>
      %dma_start3A_526 = arith.constant 0 : i32
      %dma_start3A_527 = arith.constant 0 : i32
      %dma_start3A_528 = tpu.memref_slice %arg10[%dma_start3A_514, %dma_start3A_526, %dma_start3A_527] : memref<4x200x128xf32, #tpu.memory_space<vmem>> -> memref<1x200x128xf32, #tpu.memory_space<vmem>>
      %dma_start3A_529 = tpu.memref_squeeze %dma_start3A_528 : memref<1x200x128xf32, #tpu.memory_space<vmem>> -> memref<200x128xf32, #tpu.memory_space<vmem>>
      tpu.enqueue_dma source(%dma_start3A_529 : memref<200x128xf32, #tpu.memory_space<vmem>>) target(%dma_start3A_525 : memref<200x128xf32, #tpu.memory_space<hbm>>) target_semaphore(%dma_start3A_523 : memref<!tpu.dma_semaphore, #tpu.memory_space<semaphore_mem>>)
      %dma_wait3A_530 = arith.constant 0 : i32
      %dma_wait3A_531 = arith.constant 0 : i32
      %dma_wait3A_532 = arith.constant 0 : i32
      %dma_wait3A_533 = arith.constant 0 : i32
      %dma_wait3A_534 = tpu.memref_slice %arg10[%dma_wait3A_530, %dma_wait3A_532, %dma_wait3A_533] : memref<4x200x128xf32, #tpu.memory_space<vmem>> -> memref<1x200x128xf32, #tpu.memory_space<vmem>>
      %dma_wait3A_535 = tpu.memref_squeeze %dma_wait3A_534 : memref<1x200x128xf32, #tpu.memory_space<vmem>> -> memref<200x128xf32, #tpu.memory_space<vmem>>
      %dma_wait3A_536 = arith.constant 0 : i32
      %dma_wait3A_537 = tpu.memref_slice %arg7[%mul3A_2, %dma_wait3A_536] : memref<204800x128xf32, #tpu.memory_space<hbm>> -> memref<200x128xf32, #tpu.memory_space<hbm>>
      %dma_wait3A_538 = tpu.memref_slice %arg12[%dma_wait3A_531] : memref<4x!tpu.dma_semaphore, #tpu.memory_space<semaphore_mem>> -> memref<1x!tpu.dma_semaphore, #tpu.memory_space<semaphore_mem>>
      %dma_wait3A_539 = tpu.memref_squeeze %dma_wait3A_538 : memref<1x!tpu.dma_semaphore, #tpu.memory_space<semaphore_mem>> -> memref<!tpu.dma_semaphore, #tpu.memory_space<semaphore_mem>>
      %dma_wait3A_540 = arith.constant 0 : i32
      %dma_wait3A_541 = tpu.memref_slice %arg7[%mul3A_2, %dma_wait3A_540] : memref<204800x128xf32, #tpu.memory_space<hbm>> -> memref<200x128xf32, #tpu.memory_space<hbm>>
      %dma_wait3A_542 = arith.constant 0 : i32
      %dma_wait3A_543 = arith.constant 0 : i32
      %dma_wait3A_544 = tpu.memref_slice %arg10[%dma_wait3A_530, %dma_wait3A_542, %dma_wait3A_543] : memref<4x200x128xf32, #tpu.memory_space<vmem>> -> memref<1x200x128xf32, #tpu.memory_space<vmem>>
      %dma_wait3A_545 = tpu.memref_squeeze %dma_wait3A_544 : memref<1x200x128xf32, #tpu.memory_space<vmem>> -> memref<200x128xf32, #tpu.memory_space<vmem>>
      tpu.wait_dma2 semaphore(%dma_wait3A_539 : memref<!tpu.dma_semaphore, #tpu.memory_space<semaphore_mem>>) src(%dma_wait3A_545 : memref<200x128xf32, #tpu.memory_space<vmem>>) dst(%dma_wait3A_541 : memref<200x128xf32, #tpu.memory_space<hbm>>)
      %add3A_546 = arith.constant 0 : i32
      %add3A_547 = arith.addi %add3A_494, %add3A_546 : i32
      %mul3A_548 = arith.constant 200 : i32
      %mul3A_549 = arith.muli %add3A_547, %mul3A_548 : i32
      %dma_start3A_550 = arith.constant 0 : i32
      %dma_start3A_551 = arith.constant 0 : i32
      %dma_start3A_552 = arith.constant 0 : i32
      %dma_start3A_553 = arith.constant 0 : i32
      %dma_start3A_554 = tpu.memref_slice %arg10[%dma_start3A_550, %dma_start3A_552, %dma_start3A_553] : memref<4x200x128xf32, #tpu.memory_space<vmem>> -> memref<1x200x128xf32, #tpu.memory_space<vmem>>
      %dma_start3A_555 = tpu.memref_squeeze %dma_start3A_554 : memref<1x200x128xf32, #tpu.memory_space<vmem>> -> memref<200x128xf32, #tpu.memory_space<vmem>>
      %dma_start3A_556 = tpu.memref_slice %arg9[%mul3A_549] : memref<6400xi32, #tpu.memory_space<vmem>> -> memref<200xi32, #tpu.memory_space<vmem>>
      %dma_start3A_557 = arith.constant 0 : i32
      %dma_start3A_558 = arith.constant 0 : i32
      %dma_start3A_559 = tpu.memref_slice %arg5[%dma_start3A_557, %dma_start3A_558] : memref<100000x128xf32, #tpu.memory_space<hbm>> -> memref<100000x128xf32, #tpu.memory_space<hbm>>
      %dma_start3A_560 = tpu.memref_slice %arg11[%dma_start3A_551] : memref<4x!tpu.dma_semaphore, #tpu.memory_space<semaphore_mem>> -> memref<1x!tpu.dma_semaphore, #tpu.memory_space<semaphore_mem>>
      %dma_start3A_561 = tpu.memref_squeeze %dma_start3A_560 : memref<1x!tpu.dma_semaphore, #tpu.memory_space<semaphore_mem>> -> memref<!tpu.dma_semaphore, #tpu.memory_space<semaphore_mem>>
      tpu.enqueue_indirect_dma source(%dma_start3A_559 : memref<100000x128xf32, #tpu.memory_space<hbm>>) target(%dma_start3A_555 : memref<200x128xf32, #tpu.memory_space<vmem>>) offsets(%dma_start3A_556 : memref<200xi32, #tpu.memory_space<vmem>>) semaphore(%dma_start3A_561 : memref<!tpu.dma_semaphore, #tpu.memory_space<semaphore_mem>>)
      %dma_wait3A_562 = arith.constant 1 : i32
      %dma_wait3A_563 = arith.constant 1 : i32
      %dma_wait3A_564 = arith.constant 0 : i32
      %dma_wait3A_565 = arith.constant 0 : i32
      %dma_wait3A_566 = tpu.memref_slice %arg10[%dma_wait3A_562, %dma_wait3A_564, %dma_wait3A_565] : memref<4x200x128xf32, #tpu.memory_space<vmem>> -> memref<1x200x128xf32, #tpu.memory_space<vmem>>
      %dma_wait3A_567 = tpu.memref_squeeze %dma_wait3A_566 : memref<1x200x128xf32, #tpu.memory_space<vmem>> -> memref<200x128xf32, #tpu.memory_space<vmem>>
      %dma_wait3A_568 = arith.constant 0 : i32
      %dma_wait3A_569 = tpu.memref_slice %arg9[%dma_wait3A_568] : memref<6400xi32, #tpu.memory_space<vmem>> -> memref<200xi32, #tpu.memory_space<vmem>>
      %dma_wait3A_570 = arith.constant 0 : i32
      %dma_wait3A_571 = arith.constant 0 : i32
      %dma_wait3A_572 = tpu.memref_slice %arg5[%dma_wait3A_570, %dma_wait3A_571] : memref<100000x128xf32, #tpu.memory_space<hbm>> -> memref<100000x128xf32, #tpu.memory_space<hbm>>
      %dma_wait3A_573 = tpu.memref_slice %arg11[%dma_wait3A_563] : memref<4x!tpu.dma_semaphore, #tpu.memory_space<semaphore_mem>> -> memref<1x!tpu.dma_semaphore, #tpu.memory_space<semaphore_mem>>
      %dma_wait3A_574 = tpu.memref_squeeze %dma_wait3A_573 : memref<1x!tpu.dma_semaphore, #tpu.memory_space<semaphore_mem>> -> memref<!tpu.dma_semaphore, #tpu.memory_space<semaphore_mem>>
      tpu.wait_indirect_dma semaphore(%dma_wait3A_574 : memref<!tpu.dma_semaphore, #tpu.memory_space<semaphore_mem>>) src(%dma_wait3A_572 : memref<100000x128xf32, #tpu.memory_space<hbm>>) dst(%dma_wait3A_567 : memref<200x128xf32, #tpu.memory_space<vmem>>)
      %sub3A_575 = arith.constant 4 : i32
      %sub3A_576 = arith.subi %add3A_494, %sub3A_575 : i32
      %add3A_577 = arith.constant 1 : i32
      %add3A_578 = arith.addi %sub3A_576, %add3A_577 : i32
      %mul3A_579 = arith.constant 200 : i32
      %mul3A_580 = arith.muli %add3A_578, %mul3A_579 : i32
      %add3A_581 = arith.addi %mul3A_2, %mul3A_580 : i32
      %dma_start3A_582 = arith.constant 1 : i32
      %dma_start3A_583 = arith.constant 1 : i32
      %dma_start3A_584 = arith.constant 0 : i32
      %dma_start3A_585 = arith.constant 0 : i32
      %dma_start3A_586 = tpu.memref_slice %arg10[%dma_start3A_582, %dma_start3A_584, %dma_start3A_585] : memref<4x200x128xf32, #tpu.memory_space<vmem>> -> memref<1x200x128xf32, #tpu.memory_space<vmem>>
      %dma_start3A_587 = tpu.memref_squeeze %dma_start3A_586 : memref<1x200x128xf32, #tpu.memory_space<vmem>> -> memref<200x128xf32, #tpu.memory_space<vmem>>
      %dma_start3A_588 = arith.constant 0 : i32
      %dma_start3A_589 = tpu.memref_slice %arg7[%add3A_581, %dma_start3A_588] : memref<204800x128xf32, #tpu.memory_space<hbm>> -> memref<200x128xf32, #tpu.memory_space<hbm>>
      %dma_start3A_590 = tpu.memref_slice %arg12[%dma_start3A_583] : memref<4x!tpu.dma_semaphore, #tpu.memory_space<semaphore_mem>> -> memref<1x!tpu.dma_semaphore, #tpu.memory_space<semaphore_mem>>
      %dma_start3A_591 = tpu.memref_squeeze %dma_start3A_590 : memref<1x!tpu.dma_semaphore, #tpu.memory_space<semaphore_mem>> -> memref<!tpu.dma_semaphore, #tpu.memory_space<semaphore_mem>>
      %dma_start3A_592 = arith.constant 0 : i32
      %dma_start3A_593 = tpu.memref_slice %arg7[%add3A_581, %dma_start3A_592] : memref<204800x128xf32, #tpu.memory_space<hbm>> -> memref<200x128xf32, #tpu.memory_space<hbm>>
      %dma_start3A_594 = arith.constant 0 : i32
      %dma_start3A_595 = arith.constant 0 : i32
      %dma_start3A_596 = tpu.memref_slice %arg10[%dma_start3A_582, %dma_start3A_594, %dma_start3A_595] : memref<4x200x128xf32, #tpu.memory_space<vmem>> -> memref<1x200x128xf32, #tpu.memory_space<vmem>>
      %dma_start3A_597 = tpu.memref_squeeze %dma_start3A_596 : memref<1x200x128xf32, #tpu.memory_space<vmem>> -> memref<200x128xf32, #tpu.memory_space<vmem>>
      tpu.enqueue_dma source(%dma_start3A_597 : memref<200x128xf32, #tpu.memory_space<vmem>>) target(%dma_start3A_593 : memref<200x128xf32, #tpu.memory_space<hbm>>) target_semaphore(%dma_start3A_591 : memref<!tpu.dma_semaphore, #tpu.memory_space<semaphore_mem>>)
      %dma_wait3A_598 = arith.constant 1 : i32
      %dma_wait3A_599 = arith.constant 1 : i32
      %dma_wait3A_600 = arith.constant 0 : i32
      %dma_wait3A_601 = arith.constant 0 : i32
      %dma_wait3A_602 = tpu.memref_slice %arg10[%dma_wait3A_598, %dma_wait3A_600, %dma_wait3A_601] : memref<4x200x128xf32, #tpu.memory_space<vmem>> -> memref<1x200x128xf32, #tpu.memory_space<vmem>>
      %dma_wait3A_603 = tpu.memref_squeeze %dma_wait3A_602 : memref<1x200x128xf32, #tpu.memory_space<vmem>> -> memref<200x128xf32, #tpu.memory_space<vmem>>
      %dma_wait3A_604 = arith.constant 0 : i32
      %dma_wait3A_605 = tpu.memref_slice %arg7[%mul3A_2, %dma_wait3A_604] : memref<204800x128xf32, #tpu.memory_space<hbm>> -> memref<200x128xf32, #tpu.memory_space<hbm>>
      %dma_wait3A_606 = tpu.memref_slice %arg12[%dma_wait3A_599] : memref<4x!tpu.dma_semaphore, #tpu.memory_space<semaphore_mem>> -> memref<1x!tpu.dma_semaphore, #tpu.memory_space<semaphore_mem>>
      %dma_wait3A_607 = tpu.memref_squeeze %dma_wait3A_606 : memref<1x!tpu.dma_semaphore, #tpu.memory_space<semaphore_mem>> -> memref<!tpu.dma_semaphore, #tpu.memory_space<semaphore_mem>>
      %dma_wait3A_608 = arith.constant 0 : i32
      %dma_wait3A_609 = tpu.memref_slice %arg7[%mul3A_2, %dma_wait3A_608] : memref<204800x128xf32, #tpu.memory_space<hbm>> -> memref<200x128xf32, #tpu.memory_space<hbm>>
      %dma_wait3A_610 = arith.constant 0 : i32
      %dma_wait3A_611 = arith.constant 0 : i32
      %dma_wait3A_612 = tpu.memref_slice %arg10[%dma_wait3A_598, %dma_wait3A_610, %dma_wait3A_611] : memref<4x200x128xf32, #tpu.memory_space<vmem>> -> memref<1x200x128xf32, #tpu.memory_space<vmem>>
      %dma_wait3A_613 = tpu.memref_squeeze %dma_wait3A_612 : memref<1x200x128xf32, #tpu.memory_space<vmem>> -> memref<200x128xf32, #tpu.memory_space<vmem>>
      tpu.wait_dma2 semaphore(%dma_wait3A_607 : memref<!tpu.dma_semaphore, #tpu.memory_space<semaphore_mem>>) src(%dma_wait3A_613 : memref<200x128xf32, #tpu.memory_space<vmem>>) dst(%dma_wait3A_609 : memref<200x128xf32, #tpu.memory_space<hbm>>)
      %add3A_614 = arith.constant 1 : i32
      %add3A_615 = arith.addi %add3A_494, %add3A_614 : i32
      %mul3A_616 = arith.constant 200 : i32
      %mul3A_617 = arith.muli %add3A_615, %mul3A_616 : i32
      %dma_start3A_618 = arith.constant 1 : i32
      %dma_start3A_619 = arith.constant 1 : i32
      %dma_start3A_620 = arith.constant 0 : i32
      %dma_start3A_621 = arith.constant 0 : i32
      %dma_start3A_622 = tpu.memref_slice %arg10[%dma_start3A_618, %dma_start3A_620, %dma_start3A_621] : memref<4x200x128xf32, #tpu.memory_space<vmem>> -> memref<1x200x128xf32, #tpu.memory_space<vmem>>
      %dma_start3A_623 = tpu.memref_squeeze %dma_start3A_622 : memref<1x200x128xf32, #tpu.memory_space<vmem>> -> memref<200x128xf32, #tpu.memory_space<vmem>>
      %dma_start3A_624 = tpu.memref_slice %arg9[%mul3A_617] : memref<6400xi32, #tpu.memory_space<vmem>> -> memref<200xi32, #tpu.memory_space<vmem>>
      %dma_start3A_625 = arith.constant 0 : i32
      %dma_start3A_626 = arith.constant 0 : i32
      %dma_start3A_627 = tpu.memref_slice %arg5[%dma_start3A_625, %dma_start3A_626] : memref<100000x128xf32, #tpu.memory_space<hbm>> -> memref<100000x128xf32, #tpu.memory_space<hbm>>
      %dma_start3A_628 = tpu.memref_slice %arg11[%dma_start3A_619] : memref<4x!tpu.dma_semaphore, #tpu.memory_space<semaphore_mem>> -> memref<1x!tpu.dma_semaphore, #tpu.memory_space<semaphore_mem>>
      %dma_start3A_629 = tpu.memref_squeeze %dma_start3A_628 : memref<1x!tpu.dma_semaphore, #tpu.memory_space<semaphore_mem>> -> memref<!tpu.dma_semaphore, #tpu.memory_space<semaphore_mem>>
      tpu.enqueue_indirect_dma source(%dma_start3A_627 : memref<100000x128xf32, #tpu.memory_space<hbm>>) target(%dma_start3A_623 : memref<200x128xf32, #tpu.memory_space<vmem>>) offsets(%dma_start3A_624 : memref<200xi32, #tpu.memory_space<vmem>>) semaphore(%dma_start3A_629 : memref<!tpu.dma_semaphore, #tpu.memory_space<semaphore_mem>>)
      %dma_wait3A_630 = arith.constant 2 : i32
      %dma_wait3A_631 = arith.constant 2 : i32
      %dma_wait3A_632 = arith.constant 0 : i32
      %dma_wait3A_633 = arith.constant 0 : i32
      %dma_wait3A_634 = tpu.memref_slice %arg10[%dma_wait3A_630, %dma_wait3A_632, %dma_wait3A_633] : memref<4x200x128xf32, #tpu.memory_space<vmem>> -> memref<1x200x128xf32, #tpu.memory_space<vmem>>
      %dma_wait3A_635 = tpu.memref_squeeze %dma_wait3A_634 : memref<1x200x128xf32, #tpu.memory_space<vmem>> -> memref<200x128xf32, #tpu.memory_space<vmem>>
      %dma_wait3A_636 = arith.constant 0 : i32
      %dma_wait3A_637 = tpu.memref_slice %arg9[%dma_wait3A_636] : memref<6400xi32, #tpu.memory_space<vmem>> -> memref<200xi32, #tpu.memory_space<vmem>>
      %dma_wait3A_638 = arith.constant 0 : i32
      %dma_wait3A_639 = arith.constant 0 : i32
      %dma_wait3A_640 = tpu.memref_slice %arg5[%dma_wait3A_638, %dma_wait3A_639] : memref<100000x128xf32, #tpu.memory_space<hbm>> -> memref<100000x128xf32, #tpu.memory_space<hbm>>
      %dma_wait3A_641 = tpu.memref_slice %arg11[%dma_wait3A_631] : memref<4x!tpu.dma_semaphore, #tpu.memory_space<semaphore_mem>> -> memref<1x!tpu.dma_semaphore, #tpu.memory_space<semaphore_mem>>
      %dma_wait3A_642 = tpu.memref_squeeze %dma_wait3A_641 : memref<1x!tpu.dma_semaphore, #tpu.memory_space<semaphore_mem>> -> memref<!tpu.dma_semaphore, #tpu.memory_space<semaphore_mem>>
      tpu.wait_indirect_dma semaphore(%dma_wait3A_642 : memref<!tpu.dma_semaphore, #tpu.memory_space<semaphore_mem>>) src(%dma_wait3A_640 : memref<100000x128xf32, #tpu.memory_space<hbm>>) dst(%dma_wait3A_635 : memref<200x128xf32, #tpu.memory_space<vmem>>)
      %sub3A_643 = arith.constant 4 : i32
      %sub3A_644 = arith.subi %add3A_494, %sub3A_643 : i32
      %add3A_645 = arith.constant 2 : i32
      %add3A_646 = arith.addi %sub3A_644, %add3A_645 : i32
      %mul3A_647 = arith.constant 200 : i32
      %mul3A_648 = arith.muli %add3A_646, %mul3A_647 : i32
      %add3A_649 = arith.addi %mul3A_2, %mul3A_648 : i32
      %dma_start3A_650 = arith.constant 2 : i32
      %dma_start3A_651 = arith.constant 2 : i32
      %dma_start3A_652 = arith.constant 0 : i32
      %dma_start3A_653 = arith.constant 0 : i32
      %dma_start3A_654 = tpu.memref_slice %arg10[%dma_start3A_650, %dma_start3A_652, %dma_start3A_653] : memref<4x200x128xf32, #tpu.memory_space<vmem>> -> memref<1x200x128xf32, #tpu.memory_space<vmem>>
      %dma_start3A_655 = tpu.memref_squeeze %dma_start3A_654 : memref<1x200x128xf32, #tpu.memory_space<vmem>> -> memref<200x128xf32, #tpu.memory_space<vmem>>
      %dma_start3A_656 = arith.constant 0 : i32
      %dma_start3A_657 = tpu.memref_slice %arg7[%add3A_649, %dma_start3A_656] : memref<204800x128xf32, #tpu.memory_space<hbm>> -> memref<200x128xf32, #tpu.memory_space<hbm>>
      %dma_start3A_658 = tpu.memref_slice %arg12[%dma_start3A_651] : memref<4x!tpu.dma_semaphore, #tpu.memory_space<semaphore_mem>> -> memref<1x!tpu.dma_semaphore, #tpu.memory_space<semaphore_mem>>
      %dma_start3A_659 = tpu.memref_squeeze %dma_start3A_658 : memref<1x!tpu.dma_semaphore, #tpu.memory_space<semaphore_mem>> -> memref<!tpu.dma_semaphore, #tpu.memory_space<semaphore_mem>>
      %dma_start3A_660 = arith.constant 0 : i32
      %dma_start3A_661 = tpu.memref_slice %arg7[%add3A_649, %dma_start3A_660] : memref<204800x128xf32, #tpu.memory_space<hbm>> -> memref<200x128xf32, #tpu.memory_space<hbm>>
      %dma_start3A_662 = arith.constant 0 : i32
      %dma_start3A_663 = arith.constant 0 : i32
      %dma_start3A_664 = tpu.memref_slice %arg10[%dma_start3A_650, %dma_start3A_662, %dma_start3A_663] : memref<4x200x128xf32, #tpu.memory_space<vmem>> -> memref<1x200x128xf32, #tpu.memory_space<vmem>>
      %dma_start3A_665 = tpu.memref_squeeze %dma_start3A_664 : memref<1x200x128xf32, #tpu.memory_space<vmem>> -> memref<200x128xf32, #tpu.memory_space<vmem>>
      tpu.enqueue_dma source(%dma_start3A_665 : memref<200x128xf32, #tpu.memory_space<vmem>>) target(%dma_start3A_661 : memref<200x128xf32, #tpu.memory_space<hbm>>) target_semaphore(%dma_start3A_659 : memref<!tpu.dma_semaphore, #tpu.memory_space<semaphore_mem>>)
      %dma_wait3A_666 = arith.constant 2 : i32
      %dma_wait3A_667 = arith.constant 2 : i32
      %dma_wait3A_668 = arith.constant 0 : i32
      %dma_wait3A_669 = arith.constant 0 : i32
      %dma_wait3A_670 = tpu.memref_slice %arg10[%dma_wait3A_666, %dma_wait3A_668, %dma_wait3A_669] : memref<4x200x128xf32, #tpu.memory_space<vmem>> -> memref<1x200x128xf32, #tpu.memory_space<vmem>>
      %dma_wait3A_671 = tpu.memref_squeeze %dma_wait3A_670 : memref<1x200x128xf32, #tpu.memory_space<vmem>> -> memref<200x128xf32, #tpu.memory_space<vmem>>
      %dma_wait3A_672 = arith.constant 0 : i32
      %dma_wait3A_673 = tpu.memref_slice %arg7[%mul3A_2, %dma_wait3A_672] : memref<204800x128xf32, #tpu.memory_space<hbm>> -> memref<200x128xf32, #tpu.memory_space<hbm>>
      %dma_wait3A_674 = tpu.memref_slice %arg12[%dma_wait3A_667] : memref<4x!tpu.dma_semaphore, #tpu.memory_space<semaphore_mem>> -> memref<1x!tpu.dma_semaphore, #tpu.memory_space<semaphore_mem>>
      %dma_wait3A_675 = tpu.memref_squeeze %dma_wait3A_674 : memref<1x!tpu.dma_semaphore, #tpu.memory_space<semaphore_mem>> -> memref<!tpu.dma_semaphore, #tpu.memory_space<semaphore_mem>>
      %dma_wait3A_676 = arith.constant 0 : i32
      %dma_wait3A_677 = tpu.memref_slice %arg7[%mul3A_2, %dma_wait3A_676] : memref<204800x128xf32, #tpu.memory_space<hbm>> -> memref<200x128xf32, #tpu.memory_space<hbm>>
      %dma_wait3A_678 = arith.constant 0 : i32
      %dma_wait3A_679 = arith.constant 0 : i32
      %dma_wait3A_680 = tpu.memref_slice %arg10[%dma_wait3A_666, %dma_wait3A_678, %dma_wait3A_679] : memref<4x200x128xf32, #tpu.memory_space<vmem>> -> memref<1x200x128xf32, #tpu.memory_space<vmem>>
      %dma_wait3A_681 = tpu.memref_squeeze %dma_wait3A_680 : memref<1x200x128xf32, #tpu.memory_space<vmem>> -> memref<200x128xf32, #tpu.memory_space<vmem>>
      tpu.wait_dma2 semaphore(%dma_wait3A_675 : memref<!tpu.dma_semaphore, #tpu.memory_space<semaphore_mem>>) src(%dma_wait3A_681 : memref<200x128xf32, #tpu.memory_space<vmem>>) dst(%dma_wait3A_677 : memref<200x128xf32, #tpu.memory_space<hbm>>)
      %add3A_682 = arith.constant 2 : i32
      %add3A_683 = arith.addi %add3A_494, %add3A_682 : i32
      %mul3A_684 = arith.constant 200 : i32
      %mul3A_685 = arith.muli %add3A_683, %mul3A_684 : i32
      %dma_start3A_686 = arith.constant 2 : i32
      %dma_start3A_687 = arith.constant 2 : i32
      %dma_start3A_688 = arith.constant 0 : i32
      %dma_start3A_689 = arith.constant 0 : i32
      %dma_start3A_690 = tpu.memref_slice %arg10[%dma_start3A_686, %dma_start3A_688, %dma_start3A_689] : memref<4x200x128xf32, #tpu.memory_space<vmem>> -> memref<1x200x128xf32, #tpu.memory_space<vmem>>
      %dma_start3A_691 = tpu.memref_squeeze %dma_start3A_690 : memref<1x200x128xf32, #tpu.memory_space<vmem>> -> memref<200x128xf32, #tpu.memory_space<vmem>>
      %dma_start3A_692 = tpu.memref_slice %arg9[%mul3A_685] : memref<6400xi32, #tpu.memory_space<vmem>> -> memref<200xi32, #tpu.memory_space<vmem>>
      %dma_start3A_693 = arith.constant 0 : i32
      %dma_start3A_694 = arith.constant 0 : i32
      %dma_start3A_695 = tpu.memref_slice %arg5[%dma_start3A_693, %dma_start3A_694] : memref<100000x128xf32, #tpu.memory_space<hbm>> -> memref<100000x128xf32, #tpu.memory_space<hbm>>
      %dma_start3A_696 = tpu.memref_slice %arg11[%dma_start3A_687] : memref<4x!tpu.dma_semaphore, #tpu.memory_space<semaphore_mem>> -> memref<1x!tpu.dma_semaphore, #tpu.memory_space<semaphore_mem>>
      %dma_start3A_697 = tpu.memref_squeeze %dma_start3A_696 : memref<1x!tpu.dma_semaphore, #tpu.memory_space<semaphore_mem>> -> memref<!tpu.dma_semaphore, #tpu.memory_space<semaphore_mem>>
      tpu.enqueue_indirect_dma source(%dma_start3A_695 : memref<100000x128xf32, #tpu.memory_space<hbm>>) target(%dma_start3A_691 : memref<200x128xf32, #tpu.memory_space<vmem>>) offsets(%dma_start3A_692 : memref<200xi32, #tpu.memory_space<vmem>>) semaphore(%dma_start3A_697 : memref<!tpu.dma_semaphore, #tpu.memory_space<semaphore_mem>>)
      %dma_wait3A_698 = arith.constant 3 : i32
      %dma_wait3A_699 = arith.constant 3 : i32
      %dma_wait3A_700 = arith.constant 0 : i32
      %dma_wait3A_701 = arith.constant 0 : i32
      %dma_wait3A_702 = tpu.memref_slice %arg10[%dma_wait3A_698, %dma_wait3A_700, %dma_wait3A_701] : memref<4x200x128xf32, #tpu.memory_space<vmem>> -> memref<1x200x128xf32, #tpu.memory_space<vmem>>
      %dma_wait3A_703 = tpu.memref_squeeze %dma_wait3A_702 : memref<1x200x128xf32, #tpu.memory_space<vmem>> -> memref<200x128xf32, #tpu.memory_space<vmem>>
      %dma_wait3A_704 = arith.constant 0 : i32
      %dma_wait3A_705 = tpu.memref_slice %arg9[%dma_wait3A_704] : memref<6400xi32, #tpu.memory_space<vmem>> -> memref<200xi32, #tpu.memory_space<vmem>>
      %dma_wait3A_706 = arith.constant 0 : i32
      %dma_wait3A_707 = arith.constant 0 : i32
      %dma_wait3A_708 = tpu.memref_slice %arg5[%dma_wait3A_706, %dma_wait3A_707] : memref<100000x128xf32, #tpu.memory_space<hbm>> -> memref<100000x128xf32, #tpu.memory_space<hbm>>
      %dma_wait3A_709 = tpu.memref_slice %arg11[%dma_wait3A_699] : memref<4x!tpu.dma_semaphore, #tpu.memory_space<semaphore_mem>> -> memref<1x!tpu.dma_semaphore, #tpu.memory_space<semaphore_mem>>
      %dma_wait3A_710 = tpu.memref_squeeze %dma_wait3A_709 : memref<1x!tpu.dma_semaphore, #tpu.memory_space<semaphore_mem>> -> memref<!tpu.dma_semaphore, #tpu.memory_space<semaphore_mem>>
      tpu.wait_indirect_dma semaphore(%dma_wait3A_710 : memref<!tpu.dma_semaphore, #tpu.memory_space<semaphore_mem>>) src(%dma_wait3A_708 : memref<100000x128xf32, #tpu.memory_space<hbm>>) dst(%dma_wait3A_703 : memref<200x128xf32, #tpu.memory_space<vmem>>)
      %sub3A_711 = arith.constant 4 : i32
      %sub3A_712 = arith.subi %add3A_494, %sub3A_711 : i32
      %add3A_713 = arith.constant 3 : i32
      %add3A_714 = arith.addi %sub3A_712, %add3A_713 : i32
      %mul3A_715 = arith.constant 200 : i32
      %mul3A_716 = arith.muli %add3A_714, %mul3A_715 : i32
      %add3A_717 = arith.addi %mul3A_2, %mul3A_716 : i32
      %dma_start3A_718 = arith.constant 3 : i32
      %dma_start3A_719 = arith.constant 3 : i32
      %dma_start3A_720 = arith.constant 0 : i32
      %dma_start3A_721 = arith.constant 0 : i32
      %dma_start3A_722 = tpu.memref_slice %arg10[%dma_start3A_718, %dma_start3A_720, %dma_start3A_721] : memref<4x200x128xf32, #tpu.memory_space<vmem>> -> memref<1x200x128xf32, #tpu.memory_space<vmem>>
      %dma_start3A_723 = tpu.memref_squeeze %dma_start3A_722 : memref<1x200x128xf32, #tpu.memory_space<vmem>> -> memref<200x128xf32, #tpu.memory_space<vmem>>
      %dma_start3A_724 = arith.constant 0 : i32
      %dma_start3A_725 = tpu.memref_slice %arg7[%add3A_717, %dma_start3A_724] : memref<204800x128xf32, #tpu.memory_space<hbm>> -> memref<200x128xf32, #tpu.memory_space<hbm>>
      %dma_start3A_726 = tpu.memref_slice %arg12[%dma_start3A_719] : memref<4x!tpu.dma_semaphore, #tpu.memory_space<semaphore_mem>> -> memref<1x!tpu.dma_semaphore, #tpu.memory_space<semaphore_mem>>
      %dma_start3A_727 = tpu.memref_squeeze %dma_start3A_726 : memref<1x!tpu.dma_semaphore, #tpu.memory_space<semaphore_mem>> -> memref<!tpu.dma_semaphore, #tpu.memory_space<semaphore_mem>>
      %dma_start3A_728 = arith.constant 0 : i32
      %dma_start3A_729 = tpu.memref_slice %arg7[%add3A_717, %dma_start3A_728] : memref<204800x128xf32, #tpu.memory_space<hbm>> -> memref<200x128xf32, #tpu.memory_space<hbm>>
      %dma_start3A_730 = arith.constant 0 : i32
      %dma_start3A_731 = arith.constant 0 : i32
      %dma_start3A_732 = tpu.memref_slice %arg10[%dma_start3A_718, %dma_start3A_730, %dma_start3A_731] : memref<4x200x128xf32, #tpu.memory_space<vmem>> -> memref<1x200x128xf32, #tpu.memory_space<vmem>>
      %dma_start3A_733 = tpu.memref_squeeze %dma_start3A_732 : memref<1x200x128xf32, #tpu.memory_space<vmem>> -> memref<200x128xf32, #tpu.memory_space<vmem>>
      tpu.enqueue_dma source(%dma_start3A_733 : memref<200x128xf32, #tpu.memory_space<vmem>>) target(%dma_start3A_729 : memref<200x128xf32, #tpu.memory_space<hbm>>) target_semaphore(%dma_start3A_727 : memref<!tpu.dma_semaphore, #tpu.memory_space<semaphore_mem>>)
      %dma_wait3A_734 = arith.constant 3 : i32
      %dma_wait3A_735 = arith.constant 3 : i32
      %dma_wait3A_736 = arith.constant 0 : i32
      %dma_wait3A_737 = arith.constant 0 : i32
      %dma_wait3A_738 = tpu.memref_slice %arg10[%dma_wait3A_734, %dma_wait3A_736, %dma_wait3A_737] : memref<4x200x128xf32, #tpu.memory_space<vmem>> -> memref<1x200x128xf32, #tpu.memory_space<vmem>>
      %dma_wait3A_739 = tpu.memref_squeeze %dma_wait3A_738 : memref<1x200x128xf32, #tpu.memory_space<vmem>> -> memref<200x128xf32, #tpu.memory_space<vmem>>
      %dma_wait3A_740 = arith.constant 0 : i32
      %dma_wait3A_741 = tpu.memref_slice %arg7[%mul3A_2, %dma_wait3A_740] : memref<204800x128xf32, #tpu.memory_space<hbm>> -> memref<200x128xf32, #tpu.memory_space<hbm>>
      %dma_wait3A_742 = tpu.memref_slice %arg12[%dma_wait3A_735] : memref<4x!tpu.dma_semaphore, #tpu.memory_space<semaphore_mem>> -> memref<1x!tpu.dma_semaphore, #tpu.memory_space<semaphore_mem>>
      %dma_wait3A_743 = tpu.memref_squeeze %dma_wait3A_742 : memref<1x!tpu.dma_semaphore, #tpu.memory_space<semaphore_mem>> -> memref<!tpu.dma_semaphore, #tpu.memory_space<semaphore_mem>>
      %dma_wait3A_744 = arith.constant 0 : i32
      %dma_wait3A_745 = tpu.memref_slice %arg7[%mul3A_2, %dma_wait3A_744] : memref<204800x128xf32, #tpu.memory_space<hbm>> -> memref<200x128xf32, #tpu.memory_space<hbm>>
      %dma_wait3A_746 = arith.constant 0 : i32
      %dma_wait3A_747 = arith.constant 0 : i32
      %dma_wait3A_748 = tpu.memref_slice %arg10[%dma_wait3A_734, %dma_wait3A_746, %dma_wait3A_747] : memref<4x200x128xf32, #tpu.memory_space<vmem>> -> memref<1x200x128xf32, #tpu.memory_space<vmem>>
      %dma_wait3A_749 = tpu.memref_squeeze %dma_wait3A_748 : memref<1x200x128xf32, #tpu.memory_space<vmem>> -> memref<200x128xf32, #tpu.memory_space<vmem>>
      tpu.wait_dma2 semaphore(%dma_wait3A_743 : memref<!tpu.dma_semaphore, #tpu.memory_space<semaphore_mem>>) src(%dma_wait3A_749 : memref<200x128xf32, #tpu.memory_space<vmem>>) dst(%dma_wait3A_745 : memref<200x128xf32, #tpu.memory_space<hbm>>)
      %add3A_750 = arith.constant 3 : i32
      %add3A_751 = arith.addi %add3A_494, %add3A_750 : i32
      %mul3A_752 = arith.constant 200 : i32
      %mul3A_753 = arith.muli %add3A_751, %mul3A_752 : i32
      %dma_start3A_754 = arith.constant 3 : i32
      %dma_start3A_755 = arith.constant 3 : i32
      %dma_start3A_756 = arith.constant 0 : i32
      %dma_start3A_757 = arith.constant 0 : i32
      %dma_start3A_758 = tpu.memref_slice %arg10[%dma_start3A_754, %dma_start3A_756, %dma_start3A_757] : memref<4x200x128xf32, #tpu.memory_space<vmem>> -> memref<1x200x128xf32, #tpu.memory_space<vmem>>
      %dma_start3A_759 = tpu.memref_squeeze %dma_start3A_758 : memref<1x200x128xf32, #tpu.memory_space<vmem>> -> memref<200x128xf32, #tpu.memory_space<vmem>>
      %dma_start3A_760 = tpu.memref_slice %arg9[%mul3A_753] : memref<6400xi32, #tpu.memory_space<vmem>> -> memref<200xi32, #tpu.memory_space<vmem>>
      %dma_start3A_761 = arith.constant 0 : i32
      %dma_start3A_762 = arith.constant 0 : i32
      %dma_start3A_763 = tpu.memref_slice %arg5[%dma_start3A_761, %dma_start3A_762] : memref<100000x128xf32, #tpu.memory_space<hbm>> -> memref<100000x128xf32, #tpu.memory_space<hbm>>
      %dma_start3A_764 = tpu.memref_slice %arg11[%dma_start3A_755] : memref<4x!tpu.dma_semaphore, #tpu.memory_space<semaphore_mem>> -> memref<1x!tpu.dma_semaphore, #tpu.memory_space<semaphore_mem>>
      %dma_start3A_765 = tpu.memref_squeeze %dma_start3A_764 : memref<1x!tpu.dma_semaphore, #tpu.memory_space<semaphore_mem>> -> memref<!tpu.dma_semaphore, #tpu.memory_space<semaphore_mem>>
      tpu.enqueue_indirect_dma source(%dma_start3A_763 : memref<100000x128xf32, #tpu.memory_space<hbm>>) target(%dma_start3A_759 : memref<200x128xf32, #tpu.memory_space<vmem>>) offsets(%dma_start3A_760 : memref<200xi32, #tpu.memory_space<vmem>>) semaphore(%dma_start3A_765 : memref<!tpu.dma_semaphore, #tpu.memory_space<semaphore_mem>>)
    }
    %scan3A_301 = arith.constant 7 : i32
    %dma_wait3A_302 = arith.constant 0 : i32
    %dma_wait3A_303 = arith.constant 0 : i32
    %dma_wait3A_304 = arith.constant 0 : i32
    %dma_wait3A_305 = arith.constant 0 : i32
    %dma_wait3A_306 = tpu.memref_slice %arg10[%dma_wait3A_302, %dma_wait3A_304, %dma_wait3A_305] : memref<4x200x128xf32, #tpu.memory_space<vmem>> -> memref<1x200x128xf32, #tpu.memory_space<vmem>>
    %dma_wait3A_307 = tpu.memref_squeeze %dma_wait3A_306 : memref<1x200x128xf32, #tpu.memory_space<vmem>> -> memref<200x128xf32, #tpu.memory_space<vmem>>
    %dma_wait3A_308 = arith.constant 0 : i32
    %dma_wait3A_309 = tpu.memref_slice %arg9[%dma_wait3A_308] : memref<6400xi32, #tpu.memory_space<vmem>> -> memref<200xi32, #tpu.memory_space<vmem>>
    %dma_wait3A_310 = arith.constant 0 : i32
    %dma_wait3A_311 = arith.constant 0 : i32
    %dma_wait3A_312 = tpu.memref_slice %arg5[%dma_wait3A_310, %dma_wait3A_311] : memref<100000x128xf32, #tpu.memory_space<hbm>> -> memref<100000x128xf32, #tpu.memory_space<hbm>>
    %dma_wait3A_313 = tpu.memref_slice %arg11[%dma_wait3A_303] : memref<4x!tpu.dma_semaphore, #tpu.memory_space<semaphore_mem>> -> memref<1x!tpu.dma_semaphore, #tpu.memory_space<semaphore_mem>>
    %dma_wait3A_314 = tpu.memref_squeeze %dma_wait3A_313 : memref<1x!tpu.dma_semaphore, #tpu.memory_space<semaphore_mem>> -> memref<!tpu.dma_semaphore, #tpu.memory_space<semaphore_mem>>
    tpu.wait_indirect_dma semaphore(%dma_wait3A_314 : memref<!tpu.dma_semaphore, #tpu.memory_space<semaphore_mem>>) src(%dma_wait3A_312 : memref<100000x128xf32, #tpu.memory_space<hbm>>) dst(%dma_wait3A_307 : memref<200x128xf32, #tpu.memory_space<vmem>>)
    %add3A_315 = arith.constant 5600 : i32
    %add3A_316 = arith.addi %mul3A_2, %add3A_315 : i32
    %dma_start3A_317 = arith.constant 0 : i32
    %dma_start3A_318 = arith.constant 0 : i32
    %dma_start3A_319 = arith.constant 0 : i32
    %dma_start3A_320 = arith.constant 0 : i32
    %dma_start3A_321 = tpu.memref_slice %arg10[%dma_start3A_317, %dma_start3A_319, %dma_start3A_320] : memref<4x200x128xf32, #tpu.memory_space<vmem>> -> memref<1x200x128xf32, #tpu.memory_space<vmem>>
    %dma_start3A_322 = tpu.memref_squeeze %dma_start3A_321 : memref<1x200x128xf32, #tpu.memory_space<vmem>> -> memref<200x128xf32, #tpu.memory_space<vmem>>
    %dma_start3A_323 = arith.constant 0 : i32
    %dma_start3A_324 = tpu.memref_slice %arg7[%add3A_316, %dma_start3A_323] : memref<204800x128xf32, #tpu.memory_space<hbm>> -> memref<200x128xf32, #tpu.memory_space<hbm>>
    %dma_start3A_325 = tpu.memref_slice %arg12[%dma_start3A_318] : memref<4x!tpu.dma_semaphore, #tpu.memory_space<semaphore_mem>> -> memref<1x!tpu.dma_semaphore, #tpu.memory_space<semaphore_mem>>
    %dma_start3A_326 = tpu.memref_squeeze %dma_start3A_325 : memref<1x!tpu.dma_semaphore, #tpu.memory_space<semaphore_mem>> -> memref<!tpu.dma_semaphore, #tpu.memory_space<semaphore_mem>>
    %dma_start3A_327 = arith.constant 0 : i32
    %dma_start3A_328 = tpu.memref_slice %arg7[%add3A_316, %dma_start3A_327] : memref<204800x128xf32, #tpu.memory_space<hbm>> -> memref<200x128xf32, #tpu.memory_space<hbm>>
    %dma_start3A_329 = arith.constant 0 : i32
    %dma_start3A_330 = arith.constant 0 : i32
    %dma_start3A_331 = tpu.memref_slice %arg10[%dma_start3A_317, %dma_start3A_329, %dma_start3A_330] : memref<4x200x128xf32, #tpu.memory_space<vmem>> -> memref<1x200x128xf32, #tpu.memory_space<vmem>>
    %dma_start3A_332 = tpu.memref_squeeze %dma_start3A_331 : memref<1x200x128xf32, #tpu.memory_space<vmem>> -> memref<200x128xf32, #tpu.memory_space<vmem>>
    tpu.enqueue_dma source(%dma_start3A_332 : memref<200x128xf32, #tpu.memory_space<vmem>>) target(%dma_start3A_328 : memref<200x128xf32, #tpu.memory_space<hbm>>) target_semaphore(%dma_start3A_326 : memref<!tpu.dma_semaphore, #tpu.memory_space<semaphore_mem>>)
    %dma_wait3A_333 = arith.constant 0 : i32
    %dma_wait3A_334 = arith.constant 0 : i32
    %dma_wait3A_335 = arith.constant 0 : i32
    %dma_wait3A_336 = arith.constant 0 : i32
    %dma_wait3A_337 = tpu.memref_slice %arg10[%dma_wait3A_333, %dma_wait3A_335, %dma_wait3A_336] : memref<4x200x128xf32, #tpu.memory_space<vmem>> -> memref<1x200x128xf32, #tpu.memory_space<vmem>>
    %dma_wait3A_338 = tpu.memref_squeeze %dma_wait3A_337 : memref<1x200x128xf32, #tpu.memory_space<vmem>> -> memref<200x128xf32, #tpu.memory_space<vmem>>
    %dma_wait3A_339 = arith.constant 0 : i32
    %dma_wait3A_340 = tpu.memref_slice %arg7[%mul3A_2, %dma_wait3A_339] : memref<204800x128xf32, #tpu.memory_space<hbm>> -> memref<200x128xf32, #tpu.memory_space<hbm>>
    %dma_wait3A_341 = tpu.memref_slice %arg12[%dma_wait3A_334] : memref<4x!tpu.dma_semaphore, #tpu.memory_space<semaphore_mem>> -> memref<1x!tpu.dma_semaphore, #tpu.memory_space<semaphore_mem>>
    %dma_wait3A_342 = tpu.memref_squeeze %dma_wait3A_341 : memref<1x!tpu.dma_semaphore, #tpu.memory_space<semaphore_mem>> -> memref<!tpu.dma_semaphore, #tpu.memory_space<semaphore_mem>>
    %dma_wait3A_343 = arith.constant 0 : i32
    %dma_wait3A_344 = tpu.memref_slice %arg7[%mul3A_2, %dma_wait3A_343] : memref<204800x128xf32, #tpu.memory_space<hbm>> -> memref<200x128xf32, #tpu.memory_space<hbm>>
    %dma_wait3A_345 = arith.constant 0 : i32
    %dma_wait3A_346 = arith.constant 0 : i32
    %dma_wait3A_347 = tpu.memref_slice %arg10[%dma_wait3A_333, %dma_wait3A_345, %dma_wait3A_346] : memref<4x200x128xf32, #tpu.memory_space<vmem>> -> memref<1x200x128xf32, #tpu.memory_space<vmem>>
    %dma_wait3A_348 = tpu.memref_squeeze %dma_wait3A_347 : memref<1x200x128xf32, #tpu.memory_space<vmem>> -> memref<200x128xf32, #tpu.memory_space<vmem>>
    tpu.wait_dma2 semaphore(%dma_wait3A_342 : memref<!tpu.dma_semaphore, #tpu.memory_space<semaphore_mem>>) src(%dma_wait3A_348 : memref<200x128xf32, #tpu.memory_space<vmem>>) dst(%dma_wait3A_344 : memref<200x128xf32, #tpu.memory_space<hbm>>)
    %dma_wait3A_349 = arith.constant 1 : i32
    %dma_wait3A_350 = arith.constant 1 : i32
    %dma_wait3A_351 = arith.constant 0 : i32
    %dma_wait3A_352 = arith.constant 0 : i32
    %dma_wait3A_353 = tpu.memref_slice %arg10[%dma_wait3A_349, %dma_wait3A_351, %dma_wait3A_352] : memref<4x200x128xf32, #tpu.memory_space<vmem>> -> memref<1x200x128xf32, #tpu.memory_space<vmem>>
    %dma_wait3A_354 = tpu.memref_squeeze %dma_wait3A_353 : memref<1x200x128xf32, #tpu.memory_space<vmem>> -> memref<200x128xf32, #tpu.memory_space<vmem>>
    %dma_wait3A_355 = arith.constant 0 : i32
    %dma_wait3A_356 = tpu.memref_slice %arg9[%dma_wait3A_355] : memref<6400xi32, #tpu.memory_space<vmem>> -> memref<200xi32, #tpu.memory_space<vmem>>
    %dma_wait3A_357 = arith.constant 0 : i32
    %dma_wait3A_358 = arith.constant 0 : i32
    %dma_wait3A_359 = tpu.memref_slice %arg5[%dma_wait3A_357, %dma_wait3A_358] : memref<100000x128xf32, #tpu.memory_space<hbm>> -> memref<100000x128xf32, #tpu.memory_space<hbm>>
    %dma_wait3A_360 = tpu.memref_slice %arg11[%dma_wait3A_350] : memref<4x!tpu.dma_semaphore, #tpu.memory_space<semaphore_mem>> -> memref<1x!tpu.dma_semaphore, #tpu.memory_space<semaphore_mem>>
    %dma_wait3A_361 = tpu.memref_squeeze %dma_wait3A_360 : memref<1x!tpu.dma_semaphore, #tpu.memory_space<semaphore_mem>> -> memref<!tpu.dma_semaphore, #tpu.memory_space<semaphore_mem>>
    tpu.wait_indirect_dma semaphore(%dma_wait3A_361 : memref<!tpu.dma_semaphore, #tpu.memory_space<semaphore_mem>>) src(%dma_wait3A_359 : memref<100000x128xf32, #tpu.memory_space<hbm>>) dst(%dma_wait3A_354 : memref<200x128xf32, #tpu.memory_space<vmem>>)
    %add3A_362 = arith.constant 5800 : i32
    %add3A_363 = arith.addi %mul3A_2, %add3A_362 : i32
    %dma_start3A_364 = arith.constant 1 : i32
    %dma_start3A_365 = arith.constant 1 : i32
    %dma_start3A_366 = arith.constant 0 : i32
    %dma_start3A_367 = arith.constant 0 : i32
    %dma_start3A_368 = tpu.memref_slice %arg10[%dma_start3A_364, %dma_start3A_366, %dma_start3A_367] : memref<4x200x128xf32, #tpu.memory_space<vmem>> -> memref<1x200x128xf32, #tpu.memory_space<vmem>>
    %dma_start3A_369 = tpu.memref_squeeze %dma_start3A_368 : memref<1x200x128xf32, #tpu.memory_space<vmem>> -> memref<200x128xf32, #tpu.memory_space<vmem>>
    %dma_start3A_370 = arith.constant 0 : i32
    %dma_start3A_371 = tpu.memref_slice %arg7[%add3A_363, %dma_start3A_370] : memref<204800x128xf32, #tpu.memory_space<hbm>> -> memref<200x128xf32, #tpu.memory_space<hbm>>
    %dma_start3A_372 = tpu.memref_slice %arg12[%dma_start3A_365] : memref<4x!tpu.dma_semaphore, #tpu.memory_space<semaphore_mem>> -> memref<1x!tpu.dma_semaphore, #tpu.memory_space<semaphore_mem>>
    %dma_start3A_373 = tpu.memref_squeeze %dma_start3A_372 : memref<1x!tpu.dma_semaphore, #tpu.memory_space<semaphore_mem>> -> memref<!tpu.dma_semaphore, #tpu.memory_space<semaphore_mem>>
    %dma_start3A_374 = arith.constant 0 : i32
    %dma_start3A_375 = tpu.memref_slice %arg7[%add3A_363, %dma_start3A_374] : memref<204800x128xf32, #tpu.memory_space<hbm>> -> memref<200x128xf32, #tpu.memory_space<hbm>>
    %dma_start3A_376 = arith.constant 0 : i32
    %dma_start3A_377 = arith.constant 0 : i32
    %dma_start3A_378 = tpu.memref_slice %arg10[%dma_start3A_364, %dma_start3A_376, %dma_start3A_377] : memref<4x200x128xf32, #tpu.memory_space<vmem>> -> memref<1x200x128xf32, #tpu.memory_space<vmem>>
    %dma_start3A_379 = tpu.memref_squeeze %dma_start3A_378 : memref<1x200x128xf32, #tpu.memory_space<vmem>> -> memref<200x128xf32, #tpu.memory_space<vmem>>
    tpu.enqueue_dma source(%dma_start3A_379 : memref<200x128xf32, #tpu.memory_space<vmem>>) target(%dma_start3A_375 : memref<200x128xf32, #tpu.memory_space<hbm>>) target_semaphore(%dma_start3A_373 : memref<!tpu.dma_semaphore, #tpu.memory_space<semaphore_mem>>)
    %dma_wait3A_380 = arith.constant 1 : i32
    %dma_wait3A_381 = arith.constant 1 : i32
    %dma_wait3A_382 = arith.constant 0 : i32
    %dma_wait3A_383 = arith.constant 0 : i32
    %dma_wait3A_384 = tpu.memref_slice %arg10[%dma_wait3A_380, %dma_wait3A_382, %dma_wait3A_383] : memref<4x200x128xf32, #tpu.memory_space<vmem>> -> memref<1x200x128xf32, #tpu.memory_space<vmem>>
    %dma_wait3A_385 = tpu.memref_squeeze %dma_wait3A_384 : memref<1x200x128xf32, #tpu.memory_space<vmem>> -> memref<200x128xf32, #tpu.memory_space<vmem>>
    %dma_wait3A_386 = arith.constant 0 : i32
    %dma_wait3A_387 = tpu.memref_slice %arg7[%mul3A_2, %dma_wait3A_386] : memref<204800x128xf32, #tpu.memory_space<hbm>> -> memref<200x128xf32, #tpu.memory_space<hbm>>
    %dma_wait3A_388 = tpu.memref_slice %arg12[%dma_wait3A_381] : memref<4x!tpu.dma_semaphore, #tpu.memory_space<semaphore_mem>> -> memref<1x!tpu.dma_semaphore, #tpu.memory_space<semaphore_mem>>
    %dma_wait3A_389 = tpu.memref_squeeze %dma_wait3A_388 : memref<1x!tpu.dma_semaphore, #tpu.memory_space<semaphore_mem>> -> memref<!tpu.dma_semaphore, #tpu.memory_space<semaphore_mem>>
    %dma_wait3A_390 = arith.constant 0 : i32
    %dma_wait3A_391 = tpu.memref_slice %arg7[%mul3A_2, %dma_wait3A_390] : memref<204800x128xf32, #tpu.memory_space<hbm>> -> memref<200x128xf32, #tpu.memory_space<hbm>>
    %dma_wait3A_392 = arith.constant 0 : i32
    %dma_wait3A_393 = arith.constant 0 : i32
    %dma_wait3A_394 = tpu.memref_slice %arg10[%dma_wait3A_380, %dma_wait3A_392, %dma_wait3A_393] : memref<4x200x128xf32, #tpu.memory_space<vmem>> -> memref<1x200x128xf32, #tpu.memory_space<vmem>>
    %dma_wait3A_395 = tpu.memref_squeeze %dma_wait3A_394 : memref<1x200x128xf32, #tpu.memory_space<vmem>> -> memref<200x128xf32, #tpu.memory_space<vmem>>
    tpu.wait_dma2 semaphore(%dma_wait3A_389 : memref<!tpu.dma_semaphore, #tpu.memory_space<semaphore_mem>>) src(%dma_wait3A_395 : memref<200x128xf32, #tpu.memory_space<vmem>>) dst(%dma_wait3A_391 : memref<200x128xf32, #tpu.memory_space<hbm>>)
    %dma_wait3A_396 = arith.constant 2 : i32
    %dma_wait3A_397 = arith.constant 2 : i32
    %dma_wait3A_398 = arith.constant 0 : i32
    %dma_wait3A_399 = arith.constant 0 : i32
    %dma_wait3A_400 = tpu.memref_slice %arg10[%dma_wait3A_396, %dma_wait3A_398, %dma_wait3A_399] : memref<4x200x128xf32, #tpu.memory_space<vmem>> -> memref<1x200x128xf32, #tpu.memory_space<vmem>>
    %dma_wait3A_401 = tpu.memref_squeeze %dma_wait3A_400 : memref<1x200x128xf32, #tpu.memory_space<vmem>> -> memref<200x128xf32, #tpu.memory_space<vmem>>
    %dma_wait3A_402 = arith.constant 0 : i32
    %dma_wait3A_403 = tpu.memref_slice %arg9[%dma_wait3A_402] : memref<6400xi32, #tpu.memory_space<vmem>> -> memref<200xi32, #tpu.memory_space<vmem>>
    %dma_wait3A_404 = arith.constant 0 : i32
    %dma_wait3A_405 = arith.constant 0 : i32
    %dma_wait3A_406 = tpu.memref_slice %arg5[%dma_wait3A_404, %dma_wait3A_405] : memref<100000x128xf32, #tpu.memory_space<hbm>> -> memref<100000x128xf32, #tpu.memory_space<hbm>>
    %dma_wait3A_407 = tpu.memref_slice %arg11[%dma_wait3A_397] : memref<4x!tpu.dma_semaphore, #tpu.memory_space<semaphore_mem>> -> memref<1x!tpu.dma_semaphore, #tpu.memory_space<semaphore_mem>>
    %dma_wait3A_408 = tpu.memref_squeeze %dma_wait3A_407 : memref<1x!tpu.dma_semaphore, #tpu.memory_space<semaphore_mem>> -> memref<!tpu.dma_semaphore, #tpu.memory_space<semaphore_mem>>
    tpu.wait_indirect_dma semaphore(%dma_wait3A_408 : memref<!tpu.dma_semaphore, #tpu.memory_space<semaphore_mem>>) src(%dma_wait3A_406 : memref<100000x128xf32, #tpu.memory_space<hbm>>) dst(%dma_wait3A_401 : memref<200x128xf32, #tpu.memory_space<vmem>>)
    %add3A_409 = arith.constant 6000 : i32
    %add3A_410 = arith.addi %mul3A_2, %add3A_409 : i32
    %dma_start3A_411 = arith.constant 2 : i32
    %dma_start3A_412 = arith.constant 2 : i32
    %dma_start3A_413 = arith.constant 0 : i32
    %dma_start3A_414 = arith.constant 0 : i32
    %dma_start3A_415 = tpu.memref_slice %arg10[%dma_start3A_411, %dma_start3A_413, %dma_start3A_414] : memref<4x200x128xf32, #tpu.memory_space<vmem>> -> memref<1x200x128xf32, #tpu.memory_space<vmem>>
    %dma_start3A_416 = tpu.memref_squeeze %dma_start3A_415 : memref<1x200x128xf32, #tpu.memory_space<vmem>> -> memref<200x128xf32, #tpu.memory_space<vmem>>
    %dma_start3A_417 = arith.constant 0 : i32
    %dma_start3A_418 = tpu.memref_slice %arg7[%add3A_410, %dma_start3A_417] : memref<204800x128xf32, #tpu.memory_space<hbm>> -> memref<200x128xf32, #tpu.memory_space<hbm>>
    %dma_start3A_419 = tpu.memref_slice %arg12[%dma_start3A_412] : memref<4x!tpu.dma_semaphore, #tpu.memory_space<semaphore_mem>> -> memref<1x!tpu.dma_semaphore, #tpu.memory_space<semaphore_mem>>
    %dma_start3A_420 = tpu.memref_squeeze %dma_start3A_419 : memref<1x!tpu.dma_semaphore, #tpu.memory_space<semaphore_mem>> -> memref<!tpu.dma_semaphore, #tpu.memory_space<semaphore_mem>>
    %dma_start3A_421 = arith.constant 0 : i32
    %dma_start3A_422 = tpu.memref_slice %arg7[%add3A_410, %dma_start3A_421] : memref<204800x128xf32, #tpu.memory_space<hbm>> -> memref<200x128xf32, #tpu.memory_space<hbm>>
    %dma_start3A_423 = arith.constant 0 : i32
    %dma_start3A_424 = arith.constant 0 : i32
    %dma_start3A_425 = tpu.memref_slice %arg10[%dma_start3A_411, %dma_start3A_423, %dma_start3A_424] : memref<4x200x128xf32, #tpu.memory_space<vmem>> -> memref<1x200x128xf32, #tpu.memory_space<vmem>>
    %dma_start3A_426 = tpu.memref_squeeze %dma_start3A_425 : memref<1x200x128xf32, #tpu.memory_space<vmem>> -> memref<200x128xf32, #tpu.memory_space<vmem>>
    tpu.enqueue_dma source(%dma_start3A_426 : memref<200x128xf32, #tpu.memory_space<vmem>>) target(%dma_start3A_422 : memref<200x128xf32, #tpu.memory_space<hbm>>) target_semaphore(%dma_start3A_420 : memref<!tpu.dma_semaphore, #tpu.memory_space<semaphore_mem>>)
    %dma_wait3A_427 = arith.constant 2 : i32
    %dma_wait3A_428 = arith.constant 2 : i32
    %dma_wait3A_429 = arith.constant 0 : i32
    %dma_wait3A_430 = arith.constant 0 : i32
    %dma_wait3A_431 = tpu.memref_slice %arg10[%dma_wait3A_427, %dma_wait3A_429, %dma_wait3A_430] : memref<4x200x128xf32, #tpu.memory_space<vmem>> -> memref<1x200x128xf32, #tpu.memory_space<vmem>>
    %dma_wait3A_432 = tpu.memref_squeeze %dma_wait3A_431 : memref<1x200x128xf32, #tpu.memory_space<vmem>> -> memref<200x128xf32, #tpu.memory_space<vmem>>
    %dma_wait3A_433 = arith.constant 0 : i32
    %dma_wait3A_434 = tpu.memref_slice %arg7[%mul3A_2, %dma_wait3A_433] : memref<204800x128xf32, #tpu.memory_space<hbm>> -> memref<200x128xf32, #tpu.memory_space<hbm>>
    %dma_wait3A_435 = tpu.memref_slice %arg12[%dma_wait3A_428] : memref<4x!tpu.dma_semaphore, #tpu.memory_space<semaphore_mem>> -> memref<1x!tpu.dma_semaphore, #tpu.memory_space<semaphore_mem>>
    %dma_wait3A_436 = tpu.memref_squeeze %dma_wait3A_435 : memref<1x!tpu.dma_semaphore, #tpu.memory_space<semaphore_mem>> -> memref<!tpu.dma_semaphore, #tpu.memory_space<semaphore_mem>>
    %dma_wait3A_437 = arith.constant 0 : i32
    %dma_wait3A_438 = tpu.memref_slice %arg7[%mul3A_2, %dma_wait3A_437] : memref<204800x128xf32, #tpu.memory_space<hbm>> -> memref<200x128xf32, #tpu.memory_space<hbm>>
    %dma_wait3A_439 = arith.constant 0 : i32
    %dma_wait3A_440 = arith.constant 0 : i32
    %dma_wait3A_441 = tpu.memref_slice %arg10[%dma_wait3A_427, %dma_wait3A_439, %dma_wait3A_440] : memref<4x200x128xf32, #tpu.memory_space<vmem>> -> memref<1x200x128xf32, #tpu.memory_space<vmem>>
    %dma_wait3A_442 = tpu.memref_squeeze %dma_wait3A_441 : memref<1x200x128xf32, #tpu.memory_space<vmem>> -> memref<200x128xf32, #tpu.memory_space<vmem>>
    tpu.wait_dma2 semaphore(%dma_wait3A_436 : memref<!tpu.dma_semaphore, #tpu.memory_space<semaphore_mem>>) src(%dma_wait3A_442 : memref<200x128xf32, #tpu.memory_space<vmem>>) dst(%dma_wait3A_438 : memref<200x128xf32, #tpu.memory_space<hbm>>)
    %dma_wait3A_443 = arith.constant 3 : i32
    %dma_wait3A_444 = arith.constant 3 : i32
    %dma_wait3A_445 = arith.constant 0 : i32
    %dma_wait3A_446 = arith.constant 0 : i32
    %dma_wait3A_447 = tpu.memref_slice %arg10[%dma_wait3A_443, %dma_wait3A_445, %dma_wait3A_446] : memref<4x200x128xf32, #tpu.memory_space<vmem>> -> memref<1x200x128xf32, #tpu.memory_space<vmem>>
    %dma_wait3A_448 = tpu.memref_squeeze %dma_wait3A_447 : memref<1x200x128xf32, #tpu.memory_space<vmem>> -> memref<200x128xf32, #tpu.memory_space<vmem>>
    %dma_wait3A_449 = arith.constant 0 : i32
    %dma_wait3A_450 = tpu.memref_slice %arg9[%dma_wait3A_449] : memref<6400xi32, #tpu.memory_space<vmem>> -> memref<200xi32, #tpu.memory_space<vmem>>
    %dma_wait3A_451 = arith.constant 0 : i32
    %dma_wait3A_452 = arith.constant 0 : i32
    %dma_wait3A_453 = tpu.memref_slice %arg5[%dma_wait3A_451, %dma_wait3A_452] : memref<100000x128xf32, #tpu.memory_space<hbm>> -> memref<100000x128xf32, #tpu.memory_space<hbm>>
    %dma_wait3A_454 = tpu.memref_slice %arg11[%dma_wait3A_444] : memref<4x!tpu.dma_semaphore, #tpu.memory_space<semaphore_mem>> -> memref<1x!tpu.dma_semaphore, #tpu.memory_space<semaphore_mem>>
    %dma_wait3A_455 = tpu.memref_squeeze %dma_wait3A_454 : memref<1x!tpu.dma_semaphore, #tpu.memory_space<semaphore_mem>> -> memref<!tpu.dma_semaphore, #tpu.memory_space<semaphore_mem>>
    tpu.wait_indirect_dma semaphore(%dma_wait3A_455 : memref<!tpu.dma_semaphore, #tpu.memory_space<semaphore_mem>>) src(%dma_wait3A_453 : memref<100000x128xf32, #tpu.memory_space<hbm>>) dst(%dma_wait3A_448 : memref<200x128xf32, #tpu.memory_space<vmem>>)
    %add3A_456 = arith.constant 6200 : i32
    %add3A_457 = arith.addi %mul3A_2, %add3A_456 : i32
    %dma_start3A_458 = arith.constant 3 : i32
    %dma_start3A_459 = arith.constant 3 : i32
    %dma_start3A_460 = arith.constant 0 : i32
    %dma_start3A_461 = arith.constant 0 : i32
    %dma_start3A_462 = tpu.memref_slice %arg10[%dma_start3A_458, %dma_start3A_460, %dma_start3A_461] : memref<4x200x128xf32, #tpu.memory_space<vmem>> -> memref<1x200x128xf32, #tpu.memory_space<vmem>>
    %dma_start3A_463 = tpu.memref_squeeze %dma_start3A_462 : memref<1x200x128xf32, #tpu.memory_space<vmem>> -> memref<200x128xf32, #tpu.memory_space<vmem>>
    %dma_start3A_464 = arith.constant 0 : i32
    %dma_start3A_465 = tpu.memref_slice %arg7[%add3A_457, %dma_start3A_464] : memref<204800x128xf32, #tpu.memory_space<hbm>> -> memref<200x128xf32, #tpu.memory_space<hbm>>
    %dma_start3A_466 = tpu.memref_slice %arg12[%dma_start3A_459] : memref<4x!tpu.dma_semaphore, #tpu.memory_space<semaphore_mem>> -> memref<1x!tpu.dma_semaphore, #tpu.memory_space<semaphore_mem>>
    %dma_start3A_467 = tpu.memref_squeeze %dma_start3A_466 : memref<1x!tpu.dma_semaphore, #tpu.memory_space<semaphore_mem>> -> memref<!tpu.dma_semaphore, #tpu.memory_space<semaphore_mem>>
    %dma_start3A_468 = arith.constant 0 : i32
    %dma_start3A_469 = tpu.memref_slice %arg7[%add3A_457, %dma_start3A_468] : memref<204800x128xf32, #tpu.memory_space<hbm>> -> memref<200x128xf32, #tpu.memory_space<hbm>>
    %dma_start3A_470 = arith.constant 0 : i32
    %dma_start3A_471 = arith.constant 0 : i32
    %dma_start3A_472 = tpu.memref_slice %arg10[%dma_start3A_458, %dma_start3A_470, %dma_start3A_471] : memref<4x200x128xf32, #tpu.memory_space<vmem>> -> memref<1x200x128xf32, #tpu.memory_space<vmem>>
    %dma_start3A_473 = tpu.memref_squeeze %dma_start3A_472 : memref<1x200x128xf32, #tpu.memory_space<vmem>> -> memref<200x128xf32, #tpu.memory_space<vmem>>
    tpu.enqueue_dma source(%dma_start3A_473 : memref<200x128xf32, #tpu.memory_space<vmem>>) target(%dma_start3A_469 : memref<200x128xf32, #tpu.memory_space<hbm>>) target_semaphore(%dma_start3A_467 : memref<!tpu.dma_semaphore, #tpu.memory_space<semaphore_mem>>)
    %dma_wait3A_474 = arith.constant 3 : i32
    %dma_wait3A_475 = arith.constant 3 : i32
    %dma_wait3A_476 = arith.constant 0 : i32
    %dma_wait3A_477 = arith.constant 0 : i32
    %dma_wait3A_478 = tpu.memref_slice %arg10[%dma_wait3A_474, %dma_wait3A_476, %dma_wait3A_477] : memref<4x200x128xf32, #tpu.memory_space<vmem>> -> memref<1x200x128xf32, #tpu.memory_space<vmem>>
    %dma_wait3A_479 = tpu.memref_squeeze %dma_wait3A_478 : memref<1x200x128xf32, #tpu.memory_space<vmem>> -> memref<200x128xf32, #tpu.memory_space<vmem>>
    %dma_wait3A_480 = arith.constant 0 : i32
    %dma_wait3A_481 = tpu.memref_slice %arg7[%mul3A_2, %dma_wait3A_480] : memref<204800x128xf32, #tpu.memory_space<hbm>> -> memref<200x128xf32, #tpu.memory_space<hbm>>
    %dma_wait3A_482 = tpu.memref_slice %arg12[%dma_wait3A_475] : memref<4x!tpu.dma_semaphore, #tpu.memory_space<semaphore_mem>> -> memref<1x!tpu.dma_semaphore, #tpu.memory_space<semaphore_mem>>
    %dma_wait3A_483 = tpu.memref_squeeze %dma_wait3A_482 : memref<1x!tpu.dma_semaphore, #tpu.memory_space<semaphore_mem>> -> memref<!tpu.dma_semaphore, #tpu.memory_space<semaphore_mem>>
    %dma_wait3A_484 = arith.constant 0 : i32
    %dma_wait3A_485 = tpu.memref_slice %arg7[%mul3A_2, %dma_wait3A_484] : memref<204800x128xf32, #tpu.memory_space<hbm>> -> memref<200x128xf32, #tpu.memory_space<hbm>>
    %dma_wait3A_486 = arith.constant 0 : i32
    %dma_wait3A_487 = arith.constant 0 : i32
    %dma_wait3A_488 = tpu.memref_slice %arg10[%dma_wait3A_474, %dma_wait3A_486, %dma_wait3A_487] : memref<4x200x128xf32, #tpu.memory_space<vmem>> -> memref<1x200x128xf32, #tpu.memory_space<vmem>>
    %dma_wait3A_489 = tpu.memref_squeeze %dma_wait3A_488 : memref<1x200x128xf32, #tpu.memory_space<vmem>> -> memref<200x128xf32, #tpu.memory_space<vmem>>
    tpu.wait_dma2 semaphore(%dma_wait3A_483 : memref<!tpu.dma_semaphore, #tpu.memory_space<semaphore_mem>>) src(%dma_wait3A_489 : memref<200x128xf32, #tpu.memory_space<vmem>>) dst(%dma_wait3A_485 : memref<200x128xf32, #tpu.memory_space<hbm>>)
    return
  }
}

</mosaic_0001>

<sc_bundles>
// kernel: kernel.3.cloned.1.call-start
scs
__scs_entry_jumppad:
0x0: {  	(pc) =	sbr.rel $0x88, $3  }
0x1: {  	(tag) =	ssettag $0x0;
	lr =	simm.s32 $0x1  }
0x2: {  	[smem:$0x3F9D] =	sst lr;
	_ =	strace $0xD0000000  }
0x3: {  	_ = 	snop  }
0x4: {  	_ = 	snop  }
0x5: {  	_ = 	snop  }
0x6: {  	_ = 	snop  }
0x7: {  	_ = 	snop  }
__scs_overlays_trampoline_lowered:
0x8: {  	[smem:$0x3FAC] =	sst s0  }
0x9: {  	[smem:$0x3FAD] =	sst s1  }
0xa: {  	[smem:$0x3FAE] =	sst s2  }
0xb: {  	[smem:$0x3FAF] =	sst s3  }
0xc: {  	[smem:$0x3FB0] =	sst s4  }
0xd: {  	[smem:$0x3FB1] =	sst s5  }
0xe: {  	[smem:$0x3FB2] =	sst s6  }
0xf: {  	[smem:$0x3FB3] =	sst s7  }
0x10: {  	[smem:$0x3FB4] =	sst s8  }
0x11: {  	[smem:$0x3FB5] =	sst s9;
	s0 =	simm.s32 @!p0 $0x0  }
0x12: {  	s1 =	sld [smem:$0x3F9B];
	s0 =	simm.s32 @p0 $0x1  }
0x13: {  	[smem:$0x3FB6] =	sst s0;
	s0 =	simm.s32 @!p1 $0x0  }
0x14: {  	s2 =	sld [smem:$0x3F9A];
	s0 =	simm.s32 @p1 $0x1  }
0x15: {  	[smem:$0x3FB7] =	sst s0;
	s0 =	simm.s32 @!p2 $0x0  }
0x16: {  	s3 =	sld [smem:$0x3FDB];
	s0 =	simm.s32 @p2 $0x1  }
0x17: {  	s4 =	simm.s32 $0x1BF5;
	[smem:$0x3FB9] =	sst s0  }
0x18: {  	s0 =	sld [smem:$0x3F9C];
	_ =	swait.ge [sflag:s4], $0x0  }
0x19: {  	s7 =	sld [smem:$0x3F9D]  }
0x1a: {  	s8 =	sadd.s32 $0xFFFFE003, lr  }
0x1b: {  	s9 =	sadd.s32 $0xFFFFFEF7, lr;
	s5 =	simm.s32 $0xFFFFFFFF;
	p2 =	slt.u32 s8, $0xFFFFF086  }
0x1c: {  	p1 =	slt.u32 s9, $0xF7A;
	s5 =	simm.s32 @!p2 $0x0  }
0x1d: {  	s5 =	simm.s32 @p1 $0x1;
	p0 =	seq.s32 s7, s2  }
0x1e: {  	s7 =	smul.u32 @!p0 $0xF7A, s2;
	p2 =	seq.s32 @!p0 s5, $0x0  }
0x1f: {  	s9 =	smul.u32 $0xF7A, s1;
	s8 =	simm.s32 @!p0 $0x1BF5;
	p2 =	por !p2, p0  }
0x20: {  	[sflag:s8] =	ssyncset.s32 @!p0 $0xFFFFF086;
	s6 =	sadd.s32 @!p0 s3, s7;
	s7 =	simm.s32 @!p0 $0x108  }
0x21: {  	s3 =	sadd.s32 s3, s9;
	s6 =	sadd.s32 @!p0 $0x88, s6;
	s7 =	simm.s32 @p2 $0x1082  }
0x22: {  	[simem:s7], [sflag:s8] =	dma.local @!p0 [hbm:s6], $0xF7A  }
0x23: {  	s9 =	sor.u32 $0xD0000000, s2;
	s6 =	simm.s32 $0x108;
	_ =	swait.ge @!p0 [sflag:s8], $0x0  }
0x24: {  	s3 =	sadd.s32 $0x88, s3;
	s6 =	simm.s32 @!p1 $0x1082;
	[sflag:s4] =	ssyncset.s32 $0xFFFFF086  }
0x25: {  	[simem:s6], [sflag:s4] =	dma.local [hbm:s3], $0xF7A  }
0x26: {  	[smem:$0x3F9D] =	sst s1;
	(tag) =	ssettag s2;
	_ =	strace s9  }
0x27: {  	s1 =	sld [smem:$0x3FAD]  }
0x28: {  	s2 =	sld [smem:$0x3FAE]  }
0x29: {  	s4 =	sld [smem:$0x3FB0]  }
0x2a: {  	p0 =	seq.s32 s5, $0x0;
	s5 =	sld [smem:$0x3FB1]  }
0x2b: {  	s6 =	sld [smem:$0x3FB2]  }
0x2c: {  	s7 =	sld [smem:$0x3FB3]  }
0x2d: {  	s3 =	simm.s32 $0x108;
	s8 =	sld [smem:$0x3FB4]  }
0x2e: {  	s3 =	simm.s32 @!p0 $0x1082;
	s9 =	sld [smem:$0x3FB5]  }
0x2f: {  	lr =	sadd.s32 s0, s3;
	s0 =	sld [smem:$0x3FAC]  }
0x30: {  	s3 =	sld [smem:$0x3FAF]  }
0x31: {  	[smem:$0x3FB8] =	sst s10  }
0x32: {  	s10 =	sld [smem:$0x3FB6];
	_ =	sdelay $0x3  }
0x33: {  	p0 =	seq.s32 s10, $0x1;
	s10 =	sld [smem:$0x3FB8];
	_ =	sdelay $0x3  }
0x34: {  	[smem:$0x3FB8] =	sst s10  }
0x35: {  	s10 =	sld [smem:$0x3FB7];
	_ =	sdelay $0x3  }
0x36: {  	p1 =	seq.s32 s10, $0x1;
	s10 =	sld [smem:$0x3FB8];
	_ =	sdelay $0x3  }
0x37: {  	[smem:$0x3FB8] =	sst s10  }
0x38: {  	s10 =	sld [smem:$0x3FB9]  }
0x39: {  	_ = 	snop;
	(pc) =	sbr.ind lr, $3  }
0x3a: {  	_ = 	snop  }
0x3b: {  	_ = 	snop  }
0x3c: {  	p2 =	seq.s32 s10, $0x1;
	s10 =	sld [smem:$0x3FB8]  }
0x3d: {  	_ =	shalt  }
0x3e: {  	_ =	shalt  }
0x3f: {  	_ =	shalt  }
0x40: {  	_ =	shalt  }
0x41: {  	_ =	shalt  }
0x42: {  	_ =	shalt  }
0x43: {  	_ =	shalt  }
0x44: {  	_ =	shalt  }
0x45: {  	_ =	shalt  }
0x46: {  	_ =	shalt  }
0x47: {  	_ =	shalt  }
0x48: {  	_ =	shalt  }
0x49: {  	_ =	shalt  }
0x4a: {  	_ =	shalt  }
0x4b: {  	_ =	shalt  }
0x4c: {  	_ =	shalt  }
0x4d: {  	_ =	shalt  }
0x4e: {  	_ =	shalt  }
0x4f: {  	_ =	shalt  }
0x50: {  	_ =	shalt  }
0x51: {  	_ =	shalt  }
0x52: {  	_ =	shalt  }
0x53: {  	_ =	shalt  }
0x54: {  	_ =	shalt  }
0x55: {  	_ =	shalt  }
0x56: {  	_ =	shalt  }
0x57: {  	_ =	shalt  }
0x58: {  	_ =	shalt  }
0x59: {  	_ =	shalt  }
0x5a: {  	_ =	shalt  }
0x5b: {  	_ =	shalt  }
0x5c: {  	_ =	shalt  }
0x5d: {  	_ =	shalt  }
0x5e: {  	_ =	shalt  }
0x5f: {  	_ =	shalt  }
0x60: {  	_ =	shalt  }
0x61: {  	_ =	shalt  }
0x62: {  	_ =	shalt  }
0x63: {  	_ =	shalt  }
0x64: {  	_ =	shalt  }
0x65: {  	_ =	shalt  }
0x66: {  	_ =	shalt  }
0x67: {  	_ =	shalt  }
0x68: {  	_ =	shalt  }
0x69: {  	_ =	shalt  }
0x6a: {  	_ =	shalt  }
0x6b: {  	_ =	shalt  }
0x6c: {  	_ =	shalt  }
0x6d: {  	_ =	shalt  }
0x6e: {  	_ =	shalt  }
0x6f: {  	_ =	shalt  }
0x70: {  	_ =	shalt  }
0x71: {  	_ =	shalt  }
0x72: {  	_ =	shalt  }
0x73: {  	_ =	shalt  }
0x74: {  	_ =	shalt  }
0x75: {  	_ =	shalt  }
0x76: {  	_ =	shalt  }
0x77: {  	_ =	shalt  }
0x78: {  	_ =	shalt  }
0x79: {  	_ =	shalt  }
0x7a: {  	_ =	shalt  }
0x7b: {  	_ =	shalt  }
0x7c: {  	_ =	shalt  }
0x7d: {  	_ =	shalt  }
0x7e: {  	_ =	shalt  }
0x7f: {  	_ =	shalt  }
0x80: {  	_ =	shalt  }
0x81: {  	_ =	shalt  }
0x82: {  	_ =	shalt  }
0x83: {  	_ =	shalt  }
0x84: {  	_ =	shalt  }
0x85: {  	_ =	shalt  }
0x86: {  	_ =	shalt  }
0x87: {  	_ =	shalt  }
.Lfunc_end0:
.L_simem_size_0:
called_computation_lowered:
.L_overlay_start_0:
0x88: {  	s2 =	sld [smem:$0x3FD9]  }
0x89: {  	s3 =	sld [smem:$0x3FFE];
	_ =	sdelay $0x1  }
0x8a: {  	s1 =	srdreg.scid  }
0x8b: {  	s0 =	sand.u32 $0x1, s1  }
0x8c: {  	s14 =	sshll.u32 s0, $0xA;
	s2 =	sadd.s32 s3, s2  }
0x8d: {  	s2 =	sadd.s32 s2, s14  }
0x8e: {  	[smem:$0x3FC4] =	sst s2  }
0x8f: {  	_ = 	snop  }
0x90: {  	s2 =	sld [smem:$0x3FD0];
	_ =	sdelay $0x1  }
0x91: {  	s15 =	sld [smem:$0x3FC7]  }
0x92: {  	s5 =	simm.s32 $0xA;
	s6 =	simm.s32 $0x10;
	s4 =	sld [smem:$0x3FC6]  }
0x93: {  	[smem:s6], [sflag:s5] =	dma.local [hbm:s2], $0x1  }
0x94: {  	_ =	swait.eq [sflag:s5], $0x1  }
0x95: {  	[sflag:s5] =	ssyncset.done $0x0  }
0x96: {  	s16 =	sld [smem:$0x10];
	[sflag:s5] =	ssyncadd.s32 $0xFFFFFFFF  }
0x97: {  	s17 =	sld [smem:$0x11];
	(tm) =	ssettm $0x1  }
0x98: {  	s18 =	sld [smem:$0x3FFB];
	_ =	sdelay $0x3  }
0x99: {  	_ =	strace s18  }
0x9a: {  	s6 =	sld [smem:$0x3FFC];
	_ =	sdelay $0x3  }
0x9b: {  	_ =	strace s6  }
0x9c: {  	s6 =	sld [smem:$0x3FFD];
	_ =	sdelay $0x3  }
0x9d: {  	_ =	strace s6  }
0x9e: {  	_ =	strace $0x8FFFFFFF  }
0x9f: {  	s19 =	sld [smem:$0x3FDB];
	_ =	sdelay $0x1  }
0xa0: {  	s7 =	simm.s32 $_scs_section_size  }
0xa1: {  	s8 =	simm.s32 $_size__tile_overlayer_lowered;
	s9 =	simm.s32 $_tile_overlayer_lowered  }
0xa2: {  	s22 =	simm.s32 $0x1BFF;
	s21 =	sshll.u32 s9, $0x1;
	s6 =	sadd.s32 s7, s19  }
0xa3: {  	s10 =	simm.s32 $0x0;
	s20 =	sshll.u32 s8, $0x1;
	s8 =	sadd.s32 s21, s6  }
0xa4: {  	[timem:s10], [sflag:s22] =	dma.local [hbm:s8], s20  }
0xa5: {  	_ =	swait.ge [sflag:s22], s20  }
0xa6: {  	s7 =	ssub.s32 $0x0, s20;
	[sflag:s22] =	ssyncset.done $0x0  }
0xa7: {  	[sflag:s22] =	ssyncadd.s32 s7;
	_ =	sdelay $0x1  }
0xa8: {  	s23 =	simm.s32 $0x1B8B  }
0xa9: {  	_ =	swait.ge [sflag:s23], $0x1  }
0xaa: {  	[sflag:s23] =	ssyncset.done $0x0  }
0xab: {  	s25 =	simm.s32 $0x1B8E;
	s24 =	sld [smem:$0x3FFE];
	[sflag:s23] =	ssyncadd.s32 $0xFFFFFFFF  }
0xac: {  	s26 =	simm.s32 $execute0_lowered;
	[smem:$0x3FD2] =	sst s25  }
0xad: {  	s8 =	sshll.u32 s26, $0x1;
	_ =	strace $0x80000046;
	[dreg:$0x1] =	wrdreg $0xFFFFFFFF  }
0xae: {  	s28 =	simm.s32 $_size_execute0_lowered;
	s6 =	sadd.s32 s6, s8;
	[dreg:$0x0] =	wrdreg $0x0  }
0xaf: {  	s8 =	sshll.u32 s28, $0x1;
	[dreg:$0x2] =	wrdreg s6  }
0xb0: {  	[dreg:$0x3] =	wrdreg s8  }
0xb1: {  	[dreg:$0x4] =	wrdreg $0xC0  }
0xb2: {  	_ =	task [dreg:s10], $0x5FFFF  }
0xb3: {  	[dreg:$0x1] =	wrdreg $0xFFFFFFFF  }
0xb4: {  	[dreg:$0x0] =	wrdreg $0x60  }
0xb5: {  	[dreg:$0x2] =	wrdreg s24  }
0xb6: {  	[dreg:$0x3] =	wrdreg s15  }
0xb7: {  	[dreg:$0x4] =	wrdreg s4  }
0xb8: {  	[dreg:$0x5] =	wrdreg s16  }
0xb9: {  	[dreg:$0x6] =	wrdreg s17  }
0xba: {  	[dreg:$0x7] =	wrdreg $0x9  }
0xbb: {  	_ =	task.clear_ibuf [dreg:s10], $0x8FFFF;
	_ =	strace $0x90000046  }
0xbc: {  	s29 =	simm.s32 $0x9;
	_ =	strace $0x80000048  }
0xbd: {  	_ =	swait.ge [sflag:s29], $0x1  }
0xbe: {  	[sflag:s29] =	ssyncadd.s32 $0xFFFFFFFF  }
0xbf: {  	_ =	strace $0x90000048  }
0xc0: {  	_ =	sfence  }
0xc1: {  	s30 =	sld [smem:$0x0];
	_ =	sdelay $0x2  }
0xc2: {  	s31 =	sshll.u32 s1, $0xD;
	s1 =	sshrl.u32 s1, $0x2  }
0xc3: {  	s3 =	sand.u32 $0x4000, s31;
	s1 =	sadd.s32 s1, s30  }
0xc4: {  	s0 =	sor.u32 s3, s0;
	s1 =	sshll.u32 s1, $0x11  }
0xc5: {  	s0 =	sor.u32 s1, s0  }
0xc6: {  	s0 =	sadd.s32 $0x8F2B, s0  }
0xc7: {  	[sflag:s0] =	ssyncadd.remote.s32 $0x1  }
0xc8: {  	_ =	sfence.sel $0xFFFF  }
0xc9: {  	[dreg:$0x0] =	wrdreg $0xFFFFFFFF;
	(pc) =	sbr.abs _section_cstart, $3  }
0xca: {  	[dreg:$0x1] =	wrdreg $0xFFFFFFFF  }
0xcb: {  	_ =	task.clear_ibuf [dreg:s10], $0x2FFFF;
	_ =	strace $0x9FFFFFFF  }
0xcc: {  	(tm) =	ssettm $0x7FFFFFFF  }
0xcd: {  	_ =	shalt  }
tec
execute0_lowered:
.L_overlay_start_1:
0x0: {  	(tag) =	ssettag $0x1  }
0x1: {  	s0 =	rddreg [dreg:$0x0]  }
0x2: {  	s1 =	rddreg [dreg:$0x1]  }
0x3: {  	s2 =	rddreg [dreg:$0x2]  }
0x4: {  	s3 =	srdreg.scid;
	s5 =	rddreg [dreg:$0x3]  }
0x5: {  	s12 =	stileid.u32;
	s6 =	rddreg [dreg:$0x4];
	s28 =	simm.s32 $0x1  }
0x6: {  	s29 =	simm.s32 $0x5;
	s30 =	simm.s32 $0x2;
	s31 =	simm.s32 $0x6  }
0x7: {  	s3 =	sand.u32 $0x1, s3;
	s4 =	sshll.u32 s12, $0x1;
	s14 =	smul.u32 $0x32000, s12  }
0x8: {  	s7 =	sor.u32 s3, s4;
	s4 =	simm.s32 $0x0;
	s24 =	smul.u32 $0x19000, s3  }
0x9: {  	s9 =	ssub.s32 $0x2, s3;
	s8 =	smul.u32 $0x1900, s7;
	[smem:$0x7FF] =	sst s4  }
0xa: {  	s7 =	smul.u32 $0xC8000, s7;
	s18 =	sshrl.u32 s9, $0x1;
	s25 =	sadd.s32 s14, s5  }
0xb: {  	s26 =	sadd.s32 s14, s6;
	_ =	strace $0x80000047;
	s3 =	sadd.s32 s24, s25  }
0xc: {  	s25 =	simm.s32 $0x8;
	s8 =	sshrl.u32 s8, $0x3;
	s7 =	sshrl.u32 s7, $0x3  }
0xd: {  	s16 =	sadd.s32 $0x2580, s3;
	s3 =	simm.s32 $0x3;
	s0 =	sadd.s32 s8, s0  }
0xe: {  	s8 =	ssub.s32 s9, s18;
	s11 =	sadd.s32 $0x15E00, s7;
	s21 =	sadd.s32 $0x16A80, s7  }
0xf: {  	s13 =	sadd.s32 $0x17700, s7;
	s7 =	sadd.s32 $0x18380, s7;
	s18 =	simm.s32 $0x9  }
0x10: {  	s19 =	sadd.s32 $0x800, s0;
	s0 =	sadd.s32 $0x6C00, s0;
	s20 =	sadd.s32 s5, s11  }
0x11: {  	s22 =	sadd.s32 s5, s21;
	s23 =	sadd.s32 s5, s13;
	[dreg:$0x6] =	wrdreg s19  }
0x12: {  	s10 =	sadd.s32 s5, s7;
	s11 =	sadd.s32 s6, s11;
	[dreg:$0x7] =	wrdreg s0  }
0x13: {  	s12 =	sadd.s32 s6, s21;
	s13 =	sadd.s32 s6, s13;
	[dreg:$0x8] =	wrdreg s20  }
0x14: {  	s14 =	sadd.s32 s6, s7;
	s15 =	smax.u32 s8, $0x1;
	[dreg:$0x9] =	wrdreg s22  }
0x15: {  	s21 =	simm.s32 $0x3200;
	s5 =	simm.s32 $0x0;
	[dreg:$0xa] =	wrdreg s23  }
0x16: {  	s0 =	sadd.s32 s24, s26;
	s19 =	simm.s32 $0x1900;
	s20 =	simm.s32 $0xC8  }
0x17: {  	s22 =	simm.s32 $0x9600;
	s24 =	simm.s32 $0xFA00;
	s26 =	simm.s32 $0x15E00  }
0x18: {  	s23 =	simm.s32 $0x4;
	s17 =	sadd.s32 $0x2580, s0;
	s0 =	simm.s32 $0x7  }
.LBB2_1:
0x19: {  	s6 =	rddreg [dreg:$0x6]  }
0x1a: {  	[tilespmem:s4], [sflag:$0x9] =	stream.linear.gather [hbm4b:s6+s4], $0x1900, $0x38;
	[tilespmem:$0x1C200] =	vst v63  }
0x1b: {  	_ =	swait.ge [sflag:s18], $0x1900  }
0x1c: {  	[sflag:s18] =	ssyncset.done $0x0  }
0x1d: {  	s7 =	rddreg [dreg:$0x7];
	[sflag:s18] =	ssyncadd.s32 $0xFFFFE700  }
0x1e: {  	[tilespmem:s19], [sflag:$0x9] =	stream.linear.gather [hbm4b:s7+s4], $0x1900, $0x38;
	[tilespmem:$0x1C200] =	vst v63  }
0x1f: {  	_ =	swait.ge [sflag:s18], $0x1900  }
0x20: {  	[sflag:s18] =	ssyncset.done $0x0  }
0x21: {  	[sflag:s18] =	ssyncadd.s32 $0xFFFFE700  }
0x22: {  	[tilespmem:s21], [sflag:$0x1] =	stream.indirect.gather [hbm4b:s1+s20], $0x80, s4, s20, $0xb8;
	[tilespmem:$0x1C200] =	vst v63  }
0x23: {  	_ = 	snop  }
0x24: {  	[tilespmem:s22], [sflag:$0x2] =	stream.indirect.gather [hbm4b:s1+s20], $0x80, s20, s20, $0xb8;
	[tilespmem:$0x1C200] =	vst v63  }
0x25: {  	s8 =	simm.s32 $0x190  }
0x26: {  	[tilespmem:s24], [sflag:$0x3] =	stream.indirect.gather [hbm4b:s1+s20], $0x80, s8, s20, $0xb8;
	[tilespmem:$0x1C200] =	vst v63  }
0x27: {  	s9 =	simm.s32 $0x258  }
0x28: {  	[tilespmem:s26], [sflag:$0x4] =	stream.indirect.gather [hbm4b:s1+s20], $0x80, s9, s20, $0xb8;
	[tilespmem:$0x1C200] =	vst v63  }
0x29: {  	_ =	swait.ge [sflag:s28], $0x6400  }
0x2a: {  	[sflag:s28] =	ssyncset.done $0x0  }
0x2b: {  	s7 =	sadd.s32 $0xFFFFDA80, s16;
	[sflag:s28] =	ssyncadd.s32 $0xFFFF9C00  }
0x2c: {  	[hbm4b:s7+s4] =	stream.linear.scatter [tilespmem:s21], [sflag:$0x5], $0x6400, $0x38;
	[tilespmem:$0x1C200] =	vst v63  }
0x2d: {  	_ =	swait.ge [sflag:s29], $0x6400  }
0x2e: {  	[sflag:s29] =	ssyncset.done $0x0  }
0x2f: {  	s8 =	simm.s32 $0x320;
	[sflag:s29] =	ssyncadd.s32 $0xFFFF9C00  }
0x30: {  	[tilespmem:s21], [sflag:$0x1] =	stream.indirect.gather [hbm4b:s1+s20], $0x80, s8, s20, $0xb8;
	[tilespmem:$0x1C200] =	vst v63  }
0x31: {  	_ =	swait.ge [sflag:s30], $0x6400  }
0x32: {  	[sflag:s30] =	ssyncset.done $0x0  }
0x33: {  	s9 =	sadd.s32 $0xFFFFE700, s16;
	[sflag:s30] =	ssyncadd.s32 $0xFFFF9C00  }
0x34: {  	[hbm4b:s9+s4] =	stream.linear.scatter [tilespmem:s22], [sflag:$0x6], $0x6400, $0x38;
	[tilespmem:$0x1C200] =	vst v63  }
0x35: {  	_ =	swait.ge [sflag:s31], $0x6400  }
0x36: {  	[sflag:s31] =	ssyncset.done $0x0  }
0x37: {  	s7 =	simm.s32 $0x3E8;
	[sflag:s31] =	ssyncadd.s32 $0xFFFF9C00  }
0x38: {  	[tilespmem:s22], [sflag:$0x2] =	stream.indirect.gather [hbm4b:s1+s20], $0x80, s7, s20, $0xb8;
	[tilespmem:$0x1C200] =	vst v63  }
0x39: {  	_ =	swait.ge [sflag:s3], $0x6400  }
0x3a: {  	[sflag:s3] =	ssyncset.done $0x0  }
0x3b: {  	s8 =	sadd.s32 $0xFFFFF380, s16;
	[sflag:s3] =	ssyncadd.s32 $0xFFFF9C00  }
0x3c: {  	[hbm4b:s8+s4] =	stream.linear.scatter [tilespmem:s24], [sflag:$0x7], $0x6400, $0x38;
	[tilespmem:$0x1C200] =	vst v63  }
0x3d: {  	_ =	swait.ge [sflag:s0], $0x6400  }
0x3e: {  	[sflag:s0] =	ssyncset.done $0x0  }
0x3f: {  	s9 =	simm.s32 $0x4B0;
	[sflag:s0] =	ssyncadd.s32 $0xFFFF9C00  }
0x40: {  	[tilespmem:s24], [sflag:$0x3] =	stream.indirect.gather [hbm4b:s1+s20], $0x80, s9, s20, $0xb8;
	[tilespmem:$0x1C200] =	vst v63  }
0x41: {  	_ =	swait.ge [sflag:s23], $0x6400  }
0x42: {  	[sflag:s23] =	ssyncset.done $0x0  }
0x43: {  	[sflag:s23] =	ssyncadd.s32 $0xFFFF9C00  }
0x44: {  	[hbm4b:s16+s4] =	stream.linear.scatter [tilespmem:s26], [sflag:$0x8], $0x6400, $0x38;
	[tilespmem:$0x1C200] =	vst v63  }
0x45: {  	_ =	swait.ge [sflag:s25], $0x6400  }
0x46: {  	s6 =	simm.s32 $0xC80;
	[sflag:s25] =	ssyncset.done $0x0  }
0x47: {  	s7 =	sadd.s32 $0x3200, s16;
	s8 =	simm.s32 $0x578;
	[sflag:s25] =	ssyncadd.s32 $0xFFFF9C00  }
.LBB2_2:
0x48: {  	[tilespmem:s26], [sflag:$0x4] =	stream.indirect.gather [hbm4b:s1+s20], $0x80, s8, s20, $0xb8;
	[tilespmem:$0x1C200] =	vst v63  }
0x49: {  	s8 =	smov.u32 s6  }
0x4a: {  	p0 =	sne.s32 s6, $0x4B00;
	s6 =	sadd.s32 $0xC80, s6;
	_ =	swait.ge [sflag:s28], $0x6400  }
0x4b: {  	[sflag:s28] =	ssyncset.done $0x0  }
0x4c: {  	s9 =	sadd.s32 $0xFFFFDA80, s7;
	[sflag:s28] =	ssyncadd.s32 $0xFFFF9C00  }
0x4d: {  	[hbm4b:s9+s4] =	stream.linear.scatter [tilespmem:s21], [sflag:$0x5], $0x6400, $0x38;
	[tilespmem:$0x1C200] =	vst v63  }
0x4e: {  	_ =	swait.ge [sflag:s29], $0x6400  }
0x4f: {  	s8 =	sshra.s32 s8, $0x2;
	[sflag:s29] =	ssyncset.done $0x0  }
0x50: {  	s9 =	sadd.s32 $0x320, s8;
	[sflag:s29] =	ssyncadd.s32 $0xFFFF9C00  }
0x51: {  	[tilespmem:s21], [sflag:$0x1] =	stream.indirect.gather [hbm4b:s1+s20], $0x80, s9, s20, $0xb8;
	[tilespmem:$0x1C200] =	vst v63  }
0x52: {  	_ =	swait.ge [sflag:s30], $0x6400  }
0x53: {  	[sflag:s30] =	ssyncset.done $0x0  }
0x54: {  	s9 =	sadd.s32 $0xFFFFE700, s7;
	[sflag:s30] =	ssyncadd.s32 $0xFFFF9C00  }
0x55: {  	[hbm4b:s9+s4] =	stream.linear.scatter [tilespmem:s22], [sflag:$0x6], $0x6400, $0x38;
	[tilespmem:$0x1C200] =	vst v63  }
0x56: {  	_ =	swait.ge [sflag:s31], $0x6400  }
0x57: {  	[sflag:s31] =	ssyncset.done $0x0  }
0x58: {  	s9 =	sadd.s32 $0x3E8, s8;
	[sflag:s31] =	ssyncadd.s32 $0xFFFF9C00  }
0x59: {  	[tilespmem:s22], [sflag:$0x2] =	stream.indirect.gather [hbm4b:s1+s20], $0x80, s9, s20, $0xb8;
	[tilespmem:$0x1C200] =	vst v63  }
0x5a: {  	_ =	swait.ge [sflag:s3], $0x6400  }
0x5b: {  	[sflag:s3] =	ssyncset.done $0x0  }
0x5c: {  	s9 =	sadd.s32 $0xFFFFF380, s7;
	[sflag:s3] =	ssyncadd.s32 $0xFFFF9C00  }
0x5d: {  	[hbm4b:s9+s4] =	stream.linear.scatter [tilespmem:s24], [sflag:$0x7], $0x6400, $0x38;
	[tilespmem:$0x1C200] =	vst v63  }
0x5e: {  	_ =	swait.ge [sflag:s0], $0x6400  }
0x5f: {  	[sflag:s0] =	ssyncset.done $0x0  }
0x60: {  	s9 =	sadd.s32 $0x4B0, s8;
	[sflag:s0] =	ssyncadd.s32 $0xFFFF9C00  }
0x61: {  	[tilespmem:s24], [sflag:$0x3] =	stream.indirect.gather [hbm4b:s1+s20], $0x80, s9, s20, $0xb8;
	[tilespmem:$0x1C200] =	vst v63  }
0x62: {  	_ =	swait.ge [sflag:s23], $0x6400  }
0x63: {  	[sflag:s23] =	ssyncset.done $0x0  }
.Ltmp0:
0x64: {  	[sflag:s23] =	ssyncadd.s32 $0xFFFF9C00;
	(pc) =	sbr.rel @p0 .LBB2_2-.Ltmp0, $4  }
0x65: {  	[hbm4b:s7+s4] =	stream.linear.scatter [tilespmem:s26], [sflag:$0x8], $0x6400, $0x38;
	[tilespmem:$0x1C200] =	vst v63  }
0x66: {  	_ =	swait.ge [sflag:s25], $0x6400  }
0x67: {  	[sflag:s25] =	ssyncset.done $0x0  }
0x68: {  	s8 =	sadd.s32 $0x578, s8;
	s7 =	sadd.s32 $0x3200, s7;
	[sflag:s25] =	ssyncadd.s32 $0xFFFF9C00  }
0x69: {  	[tilespmem:s26], [sflag:$0x4] =	stream.indirect.gather [hbm4b:s1+s20], $0x80, s8, s20, $0xb8;
	[tilespmem:$0x1C200] =	vst v63  }
0x6a: {  	_ =	swait.ge [sflag:s28], $0x6400  }
0x6b: {  	[sflag:s28] =	ssyncset.done $0x0  }
0x6c: {  	s6 =	simm.s32 $0x0;
	s7 =	rddreg [dreg:$0x8];
	[sflag:s28] =	ssyncadd.s32 $0xFFFF9C00  }
0x6d: {  	[hbm4b:s7+s6] =	stream.linear.scatter [tilespmem:s21], [sflag:$0x5], $0x6400, $0x38;
	[tilespmem:$0x1C200] =	vst v63  }
0x6e: {  	_ =	swait.ge [sflag:s29], $0x6400  }
0x6f: {  	[sflag:s29] =	ssyncset.done $0x0  }
0x70: {  	[sflag:s29] =	ssyncadd.s32 $0xFFFF9C00  }
0x71: {  	_ =	swait.ge [sflag:s30], $0x6400  }
0x72: {  	[sflag:s30] =	ssyncset.done $0x0  }
0x73: {  	s8 =	rddreg [dreg:$0x9];
	[sflag:s30] =	ssyncadd.s32 $0xFFFF9C00  }
0x74: {  	[hbm4b:s8+s6] =	stream.linear.scatter [tilespmem:s22], [sflag:$0x6], $0x6400, $0x38;
	[tilespmem:$0x1C200] =	vst v63  }
0x75: {  	_ =	swait.ge [sflag:s31], $0x6400  }
0x76: {  	[sflag:s31] =	ssyncset.done $0x0  }
0x77: {  	[sflag:s31] =	ssyncadd.s32 $0xFFFF9C00  }
0x78: {  	_ =	swait.ge [sflag:s3], $0x6400  }
0x79: {  	[sflag:s3] =	ssyncset.done $0x0  }
0x7a: {  	s9 =	rddreg [dreg:$0xa];
	[sflag:s3] =	ssyncadd.s32 $0xFFFF9C00  }
0x7b: {  	[hbm4b:s9+s6] =	stream.linear.scatter [tilespmem:s24], [sflag:$0x7], $0x6400, $0x38;
	[tilespmem:$0x1C200] =	vst v63  }
0x7c: {  	_ =	swait.ge [sflag:s0], $0x6400  }
0x7d: {  	[sflag:s0] =	ssyncset.done $0x0  }
0x7e: {  	[sflag:s0] =	ssyncadd.s32 $0xFFFF9C00  }
0x7f: {  	_ =	swait.ge [sflag:s23], $0x6400  }
0x80: {  	[sflag:s23] =	ssyncset.done $0x0  }
0x81: {  	[sflag:s23] =	ssyncadd.s32 $0xFFFF9C00  }
0x82: {  	[hbm4b:s10+s6] =	stream.linear.scatter [tilespmem:s26], [sflag:$0x8], $0x6400, $0x38;
	[tilespmem:$0x1C200] =	vst v63  }
0x83: {  	_ =	swait.ge [sflag:s25], $0x6400  }
0x84: {  	[sflag:s25] =	ssyncset.done $0x0  }
0x85: {  	[sflag:s25] =	ssyncadd.s32 $0xFFFF9C00  }
0x86: {  	[tilespmem:s21], [sflag:$0x1] =	stream.indirect.gather [hbm4b:s2+s20], $0x80, s19, s20, $0xb8;
	[tilespmem:$0x1C200] =	vst v63  }
0x87: {  	s7 =	simm.s32 $0x19C8  }
0x88: {  	[tilespmem:s22], [sflag:$0x2] =	stream.indirect.gather [hbm4b:s2+s20], $0x80, s7, s20, $0xb8;
	[tilespmem:$0x1C200] =	vst v63  }
0x89: {  	s8 =	simm.s32 $0x1A90  }
0x8a: {  	[tilespmem:s24], [sflag:$0x3] =	stream.indirect.gather [hbm4b:s2+s20], $0x80, s8, s20, $0xb8;
	[tilespmem:$0x1C200] =	vst v63  }
0x8b: {  	s9 =	simm.s32 $0x1B58  }
0x8c: {  	[tilespmem:s26], [sflag:$0x4] =	stream.indirect.gather [hbm4b:s2+s20], $0x80, s9, s20, $0xb8;
	[tilespmem:$0x1C200] =	vst v63  }
0x8d: {  	_ =	swait.ge [sflag:s28], $0x6400  }
0x8e: {  	[sflag:s28] =	ssyncset.done $0x0  }
0x8f: {  	s7 =	sadd.s32 $0xFFFFDA80, s17;
	[sflag:s28] =	ssyncadd.s32 $0xFFFF9C00  }
0x90: {  	[hbm4b:s7+s4] =	stream.linear.scatter [tilespmem:s21], [sflag:$0x5], $0x6400, $0x38;
	[tilespmem:$0x1C200] =	vst v63  }
0x91: {  	_ =	swait.ge [sflag:s29], $0x6400  }
0x92: {  	[sflag:s29] =	ssyncset.done $0x0  }
0x93: {  	s8 =	simm.s32 $0x1C20;
	[sflag:s29] =	ssyncadd.s32 $0xFFFF9C00  }
0x94: {  	[tilespmem:s21], [sflag:$0x1] =	stream.indirect.gather [hbm4b:s2+s20], $0x80, s8, s20, $0xb8;
	[tilespmem:$0x1C200] =	vst v63  }
0x95: {  	_ =	swait.ge [sflag:s30], $0x6400  }
0x96: {  	[sflag:s30] =	ssyncset.done $0x0  }
0x97: {  	s9 =	sadd.s32 $0xFFFFE700, s17;
	[sflag:s30] =	ssyncadd.s32 $0xFFFF9C00  }
0x98: {  	[hbm4b:s9+s4] =	stream.linear.scatter [tilespmem:s22], [sflag:$0x6], $0x6400, $0x38;
	[tilespmem:$0x1C200] =	vst v63  }
0x99: {  	_ =	swait.ge [sflag:s31], $0x6400  }
0x9a: {  	[sflag:s31] =	ssyncset.done $0x0  }
0x9b: {  	s7 =	simm.s32 $0x1CE8;
	[sflag:s31] =	ssyncadd.s32 $0xFFFF9C00  }
0x9c: {  	[tilespmem:s22], [sflag:$0x2] =	stream.indirect.gather [hbm4b:s2+s20], $0x80, s7, s20, $0xb8;
	[tilespmem:$0x1C200] =	vst v63  }
0x9d: {  	_ =	swait.ge [sflag:s3], $0x6400  }
0x9e: {  	[sflag:s3] =	ssyncset.done $0x0  }
0x9f: {  	s8 =	sadd.s32 $0xFFFFF380, s17;
	[sflag:s3] =	ssyncadd.s32 $0xFFFF9C00  }
0xa0: {  	[hbm4b:s8+s4] =	stream.linear.scatter [tilespmem:s24], [sflag:$0x7], $0x6400, $0x38;
	[tilespmem:$0x1C200] =	vst v63  }
0xa1: {  	_ =	swait.ge [sflag:s0], $0x6400  }
0xa2: {  	[sflag:s0] =	ssyncset.done $0x0  }
0xa3: {  	s9 =	simm.s32 $0x1DB0;
	[sflag:s0] =	ssyncadd.s32 $0xFFFF9C00  }
0xa4: {  	[tilespmem:s24], [sflag:$0x3] =	stream.indirect.gather [hbm4b:s2+s20], $0x80, s9, s20, $0xb8;
	[tilespmem:$0x1C200] =	vst v63  }
0xa5: {  	_ =	swait.ge [sflag:s23], $0x6400  }
0xa6: {  	[sflag:s23] =	ssyncset.done $0x0  }
0xa7: {  	[sflag:s23] =	ssyncadd.s32 $0xFFFF9C00  }
0xa8: {  	[hbm4b:s17+s4] =	stream.linear.scatter [tilespmem:s26], [sflag:$0x8], $0x6400, $0x38;
	[tilespmem:$0x1C200] =	vst v63  }
0xa9: {  	_ =	swait.ge [sflag:s25], $0x6400  }
0xaa: {  	s6 =	simm.s32 $0xC80;
	[sflag:s25] =	ssyncset.done $0x0  }
0xab: {  	s7 =	sadd.s32 $0x3200, s17;
	s8 =	simm.s32 $0x1E78;
	[sflag:s25] =	ssyncadd.s32 $0xFFFF9C00  }
.LBB2_4:
0xac: {  	[tilespmem:s26], [sflag:$0x4] =	stream.indirect.gather [hbm4b:s2+s20], $0x80, s8, s20, $0xb8;
	[tilespmem:$0x1C200] =	vst v63  }
0xad: {  	s8 =	smov.u32 s6  }
0xae: {  	p0 =	sne.s32 s6, $0x4B00;
	s6 =	sadd.s32 $0xC80, s6;
	_ =	swait.ge [sflag:s28], $0x6400  }
0xaf: {  	[sflag:s28] =	ssyncset.done $0x0  }
0xb0: {  	s9 =	sadd.s32 $0xFFFFDA80, s7;
	[sflag:s28] =	ssyncadd.s32 $0xFFFF9C00  }
0xb1: {  	[hbm4b:s9+s4] =	stream.linear.scatter [tilespmem:s21], [sflag:$0x5], $0x6400, $0x38;
	[tilespmem:$0x1C200] =	vst v63  }
0xb2: {  	_ =	swait.ge [sflag:s29], $0x6400  }
0xb3: {  	s8 =	sshra.s32 s8, $0x2;
	[sflag:s29] =	ssyncset.done $0x0  }
0xb4: {  	s9 =	sadd.s32 $0x1C20, s8;
	[sflag:s29] =	ssyncadd.s32 $0xFFFF9C00  }
0xb5: {  	[tilespmem:s21], [sflag:$0x1] =	stream.indirect.gather [hbm4b:s2+s20], $0x80, s9, s20, $0xb8;
	[tilespmem:$0x1C200] =	vst v63  }
0xb6: {  	_ =	swait.ge [sflag:s30], $0x6400  }
0xb7: {  	[sflag:s30] =	ssyncset.done $0x0  }
0xb8: {  	s9 =	sadd.s32 $0xFFFFE700, s7;
	[sflag:s30] =	ssyncadd.s32 $0xFFFF9C00  }
0xb9: {  	[hbm4b:s9+s4] =	stream.linear.scatter [tilespmem:s22], [sflag:$0x6], $0x6400, $0x38;
	[tilespmem:$0x1C200] =	vst v63  }
0xba: {  	_ =	swait.ge [sflag:s31], $0x6400  }
0xbb: {  	[sflag:s31] =	ssyncset.done $0x0  }
0xbc: {  	s9 =	sadd.s32 $0x1CE8, s8;
	[sflag:s31] =	ssyncadd.s32 $0xFFFF9C00  }
0xbd: {  	[tilespmem:s22], [sflag:$0x2] =	stream.indirect.gather [hbm4b:s2+s20], $0x80, s9, s20, $0xb8;
	[tilespmem:$0x1C200] =	vst v63  }
0xbe: {  	_ =	swait.ge [sflag:s3], $0x6400  }
0xbf: {  	[sflag:s3] =	ssyncset.done $0x0  }
0xc0: {  	s9 =	sadd.s32 $0xFFFFF380, s7;
	[sflag:s3] =	ssyncadd.s32 $0xFFFF9C00  }
0xc1: {  	[hbm4b:s9+s4] =	stream.linear.scatter [tilespmem:s24], [sflag:$0x7], $0x6400, $0x38;
	[tilespmem:$0x1C200] =	vst v63  }
0xc2: {  	_ =	swait.ge [sflag:s0], $0x6400  }
0xc3: {  	[sflag:s0] =	ssyncset.done $0x0  }
0xc4: {  	s9 =	sadd.s32 $0x1DB0, s8;
	[sflag:s0] =	ssyncadd.s32 $0xFFFF9C00  }
0xc5: {  	[tilespmem:s24], [sflag:$0x3] =	stream.indirect.gather [hbm4b:s2+s20], $0x80, s9, s20, $0xb8;
	[tilespmem:$0x1C200] =	vst v63  }
0xc6: {  	_ =	swait.ge [sflag:s23], $0x6400  }
0xc7: {  	[sflag:s23] =	ssyncset.done $0x0  }
.Ltmp1:
0xc8: {  	[sflag:s23] =	ssyncadd.s32 $0xFFFF9C00;
	(pc) =	sbr.rel @p0 .LBB2_4-.Ltmp1, $4  }
0xc9: {  	[hbm4b:s7+s4] =	stream.linear.scatter [tilespmem:s26], [sflag:$0x8], $0x6400, $0x38;
	[tilespmem:$0x1C200] =	vst v63  }
0xca: {  	_ =	swait.ge [sflag:s25], $0x6400  }
0xcb: {  	[sflag:s25] =	ssyncset.done $0x0  }
0xcc: {  	s8 =	sadd.s32 $0x1E78, s8;
	s7 =	sadd.s32 $0x3200, s7;
	[sflag:s25] =	ssyncadd.s32 $0xFFFF9C00  }
0xcd: {  	[tilespmem:s26], [sflag:$0x4] =	stream.indirect.gather [hbm4b:s2+s20], $0x80, s8, s20, $0xb8;
	[tilespmem:$0x1C200] =	vst v63  }
0xce: {  	_ =	swait.ge [sflag:s28], $0x6400  }
0xcf: {  	[sflag:s28] =	ssyncset.done $0x0  }
0xd0: {  	[sflag:s28] =	ssyncadd.s32 $0xFFFF9C00  }
0xd1: {  	[hbm4b:s11+s4] =	stream.linear.scatter [tilespmem:s21], [sflag:$0x5], $0x6400, $0x38;
	[tilespmem:$0x1C200] =	vst v63  }
0xd2: {  	_ =	swait.ge [sflag:s29], $0x6400  }
0xd3: {  	[sflag:s29] =	ssyncset.done $0x0  }
0xd4: {  	[sflag:s29] =	ssyncadd.s32 $0xFFFF9C00  }
0xd5: {  	_ =	swait.ge [sflag:s30], $0x6400  }
0xd6: {  	[sflag:s30] =	ssyncset.done $0x0  }
0xd7: {  	[sflag:s30] =	ssyncadd.s32 $0xFFFF9C00  }
0xd8: {  	[hbm4b:s12+s4] =	stream.linear.scatter [tilespmem:s22], [sflag:$0x6], $0x6400, $0x38;
	[tilespmem:$0x1C200] =	vst v63  }
0xd9: {  	_ =	swait.ge [sflag:s31], $0x6400  }
0xda: {  	[sflag:s31] =	ssyncset.done $0x0  }
0xdb: {  	[sflag:s31] =	ssyncadd.s32 $0xFFFF9C00  }
0xdc: {  	_ =	swait.ge [sflag:s3], $0x6400  }
0xdd: {  	[sflag:s3] =	ssyncset.done $0x0  }
0xde: {  	[sflag:s3] =	ssyncadd.s32 $0xFFFF9C00  }
0xdf: {  	[hbm4b:s13+s4] =	stream.linear.scatter [tilespmem:s24], [sflag:$0x7], $0x6400, $0x38;
	[tilespmem:$0x1C200] =	vst v63  }
0xe0: {  	_ =	swait.ge [sflag:s0], $0x6400  }
0xe1: {  	[sflag:s0] =	ssyncset.done $0x0  }
0xe2: {  	[sflag:s0] =	ssyncadd.s32 $0xFFFF9C00  }
0xe3: {  	s5 =	sadd.s32 $0x1, s5;
	_ =	swait.ge [sflag:s23], $0x6400  }
0xe4: {  	p0 =	sne.s32 s5, s15;
	[sflag:s23] =	ssyncset.done $0x0  }
.Ltmp2:
0xe5: {  	[sflag:s23] =	ssyncadd.s32 $0xFFFF9C00;
	(pc) =	sbr.rel @p0 .LBB2_1-.Ltmp2, $4  }
0xe6: {  	[hbm4b:s14+s4] =	stream.linear.scatter [tilespmem:s26], [sflag:$0x8], $0x6400, $0x38;
	[tilespmem:$0x1C200] =	vst v63  }
0xe7: {  	_ =	swait.ge [sflag:s25], $0x6400  }
0xe8: {  	[sflag:s25] =	ssyncset.done $0x0  }
0xe9: {  	[sflag:s25] =	ssyncadd.s32 $0xFFFF9C00  }
0xea: {  	_ =	sfence.sel $0x180000  }
0xeb: {  	[bflag:$0x0] =	sbarrier.arrive $0xFFFF  }
0xec: {  	_ =	strace $0x90000047  }
0xed: {  	s0 =	stileid.u32;
	[bflag:$0x2] =	sbarrier.arrive $0xFFFF  }
0xee: {  	p0 =	sne.s32 s0, $0x0;
	s0 =	rddreg [dreg:$0x5]  }
0xef: {  	s0 =	sadd.s32 @!p0 $0x100000, s0  }
0xf0: {  	[sflag:s0] =	ssyncadd.tile.s32 @!p0 $0x1;
	_ =	shalt  }
.Lfunc_end2:
_tile_overlayer_lowered:
.L_overlay_start_2:
0xf1: {  	(tag) =	ssettag $0x2  }
0xf2: {  	s0 =	rddreg [dreg:$0x0];
	s2 =	stileid.u32  }
0xf3: {  	s1 =	rddreg [dreg:$0x1];
	p0 =	sne.s32 s2, $0x0  }
0xf4: {  	s3 =	rddreg [dreg:$0x2];
	[bflag:$0x3] =	sbarrier.arrive $0xFFFF;
	s2 =	simm.s32 @!p0 $0x1C09  }
0xf5: {  	[timem:s3], [sflag:s2] =	dma.local @!p0 [hbm:s0], s1  }
0xf6: {  	s0 =	simm.s32 @!p0 $0x9  }
0xf7: {  	_ =	swait.ge @!p0 [sflag:s0], s1  }
0xf8: {  	s1 =	ssub.s32 @!p0 $0x0, s1;
	[sflag:s0] =	ssyncset.done @!p0 $0x0  }
0xf9: {  	[sflag:s0] =	ssyncadd.s32 @!p0 s1  }
0xfa: {  	[bflag:$0x3] =	sbarrier.arrive $0xFFFF  }
0xfb: {  	_ =	shalt  }

</sc_bundles>
